<compile_context>
chip_gen: v7x
topology: tpu7x:2x2x1
jax: 0.10.2.dev20260603
libtpu: 0.0.44.dev20260713+nightly
codegen_flags: <defaults>
</compile_context>

<pallas_src>
import jax
import jax.numpy as jnp
from jax import lax
from jax.experimental import pallas as pl
from jax.experimental.pallas import tpu as pltpu
from jax.experimental.pallas import tpu_sc as plsc

NUM_CORES = 2
NUM_SUBCORES = 16
NW = NUM_CORES * NUM_SUBCORES
CHUNK = 128
NBUF = 4
D = 128


def _emb_body(z_hbm, table_hbm, out_hbm, idx_v, bufs, table_sp, *sems):
    gsem = sems[:NBUF]
    ssem = sems[NBUF:]
    sid = lax.axis_index("s")
    wid = sid * NUM_CORES + lax.axis_index("c")
    nchunks = z_hbm.shape[1]
    ngroups = nchunks // NBUF
    base = wid * (nchunks * CHUNK)

    @pl.when(sid == 0)
    def _():
        pltpu.sync_copy(table_hbm, table_sp)

    pltpu.sync_copy(z_hbm.at[wid], idx_v)
    plsc.subcore_barrier()

    def gather(c, b):
        return pltpu.async_copy(table_sp.at[idx_v.at[c]], bufs.at[b], gsem[b])

    def gather_wait(c, b):
        pltpu.make_async_copy(table_sp.at[idx_v.at[c]], bufs.at[b], gsem[b]).wait()

    def store(c, b):
        return pltpu.async_copy(
            bufs.at[b], out_hbm.at[pl.ds(base + c * CHUNK, CHUNK)], ssem[b]
        )

    def store_wait(c, b):
        pltpu.make_async_copy(
            bufs.at[b], out_hbm.at[pl.ds(base + c * CHUNK, CHUNK)], ssem[b]
        ).wait()

    L = 2

    for b in range(L):
        gather(b, b)
    for b in range(NBUF):
        if b >= L:
            store_wait(b - L, (b - L) % NBUF)
        gather(b + L, (b + L) % NBUF)
        gather_wait(b, b)
        store(b, b)

    def group(g, carry):
        for b in range(NBUF):
            c = g * NBUF + b
            store_wait(c - L, (b - L) % NBUF)
            gather(c + L, (b + L) % NBUF)
            gather_wait(c, b)
            store(c, b)
        return carry

    lax.fori_loop(1, ngroups - 1, group, 0)

    for b in range(NBUF):
        c = (ngroups - 1) * NBUF + b
        store_wait(c - L, (b - L) % NBUF)
        if b < NBUF - L:
            gather(c + L, (b + L) % NBUF)
        gather_wait(c, b)
        store(c, b)

    for b in range(NBUF - L, NBUF):
        c = (ngroups - 1) * NBUF + b
        store_wait(c, b)


def kernel(Z, table):
    B = Z.shape[0] * Z.shape[1]
    n_per_w = B // NW
    nchunks = n_per_w // CHUNK
    z_flat = Z.reshape(NW, nchunks, CHUNK).astype(jnp.int32)
    table = table.at[0].set(0.0)

    mesh = plsc.VectorSubcoreMesh(
        core_axis_name="c", subcore_axis_name="s",
        num_cores=NUM_CORES, num_subcores=NUM_SUBCORES,
    )
    run = pl.kernel(
        _emb_body,
        out_type=jax.ShapeDtypeStruct((B, D), jnp.float32),
        mesh=mesh,
        scratch_types=[
            pltpu.VMEM((nchunks, CHUNK), jnp.int32),
            pltpu.VMEM((NBUF, CHUNK, D), jnp.float32),
            pltpu.VMEM_SHARED((128, D), jnp.float32),
        ] + [pltpu.SemaphoreType.DMA] * (2 * NBUF),
    )
    out = run(z_flat, table)
    return out.reshape(Z.shape[0], Z.shape[1], D)

# --- scband reference (transcript-rebuilt; emitter-appended) ---
"""Pipeline reference for scband-atom-type-embedding-15917148799182 (READ-ONLY COPY).

The authoritative reference and input builder live on the scoring server;
editing this copy changes nothing except your own understanding.
"""

import jax, jax.numpy as jnp
import numpy as np

NUM_TYPES = 128
HIDDEN_DIM = 128
PADDING_IDX = 0


def setup_inputs(seed: int = 0) -> dict:
    key = jax.random.key(seed)
    k1, k2 = jax.random.split(key)
    Z = jax.random.randint(k1, (1024, 512), 0, NUM_TYPES, dtype=jnp.int64)
    table = jax.random.normal(k2, (NUM_TYPES, HIDDEN_DIM), dtype=jnp.float32)
    # padding_idx row is zero-initialized in nn.Embedding
    table = table.at[PADDING_IDX].set(0.0)
    return {"Z": Z, "table": table}


def reference(Z, table):
    # nn.Embedding with padding_idx: row PADDING_IDX acts as zeros
    t = table.at[PADDING_IDX].set(0.0)
    h = jnp.take(t, Z, axis=0)  # [1024, 512, HIDDEN_DIM]
    return h

if __name__ == "__main__":
    import jax
    _d = setup_inputs()
    print(jax.jit(kernel)(*tuple(_d.values())))

</pallas_src>

<mosaic_0001>
#map = affine_map<(d0, d1) -> (0, 0, 0)>
#map1 = affine_map<(d0, d1) -> (0, 0)>
module attributes {stable_mosaic.version = 14 : i64} {
  func.func @_emb_body(%arg0: i32, %arg1: i32, %arg2: memref<32x128x128xi32, #tpu.memory_space<hbm>>, %arg3: memref<128x128xf32, #tpu.memory_space<hbm>>, %arg4: memref<524288x128xf32, #tpu.memory_space<hbm>>, %arg5: memref<128x128xi32, #tpu.memory_space<vmem>>, %arg6: memref<4x128x128xf32, #tpu.memory_space<vmem>>, %arg7: memref<128x128xf32, #tpu.memory_space<vmem_shared>>, %arg8: memref<!tpu.dma_semaphore, #tpu.memory_space<semaphore_mem>>, %arg9: memref<!tpu.dma_semaphore, #tpu.memory_space<semaphore_mem>>, %arg10: memref<!tpu.dma_semaphore, #tpu.memory_space<semaphore_mem>>, %arg11: memref<!tpu.dma_semaphore, #tpu.memory_space<semaphore_mem>>, %arg12: memref<!tpu.dma_semaphore, #tpu.memory_space<semaphore_mem>>, %arg13: memref<!tpu.dma_semaphore, #tpu.memory_space<semaphore_mem>>, %arg14: memref<!tpu.dma_semaphore, #tpu.memory_space<semaphore_mem>>, %arg15: memref<!tpu.dma_semaphore, #tpu.memory_space<semaphore_mem>>) attributes {dimension_semantics = [#tpu.dimension_semantics<core_parallel>, #tpu.dimension_semantics<subcore_parallel>], iteration_bounds = array<i64: 2, 16>, scalar_prefetch = 0 : i64, scratch_operands = 11 : i64, tpu.core_type = #tpu.core_type<sc_vector_subcore>, window_params = [{transform_indices = #map}, {transform_indices = #map1}, {transform_indices = #map1}]} {
    %mul3A = arith.constant 2 : i32
    %mul3A_0 = arith.muli %arg1, %mul3A : i32
    %add3A = arith.addi %mul3A_0, %arg0 : i32
    %mul3A_1 = arith.constant 16384 : i32
    %mul3A_2 = arith.muli %add3A, %mul3A_1 : i32
    %eq3A = arith.constant 0 : i32
    %eq3A_3 = arith.cmpi eq, %arg1, %eq3A : i32
    %convert_element_type3A = arith.extui %eq3A_3 : i1 to i32
    %cond3A = arith.constant 0 : i32
    %cond3A_4 = arith.cmpi ne, %convert_element_type3A, %cond3A : i32
    scf.if %cond3A_4 {
      "tpu.region"() ({
        %run_scoped3A = tpu.sem_alloc : memref<!tpu.dma_semaphore, #tpu.memory_space<semaphore_mem>>
        tpu.enqueue_dma source(%arg3 : memref<128x128xf32, #tpu.memory_space<hbm>>) target(%arg7 : memref<128x128xf32, #tpu.memory_space<vmem_shared>>) target_semaphore(%run_scoped3A : memref<!tpu.dma_semaphore, #tpu.memory_space<semaphore_mem>>)
        tpu.wait_dma2 semaphore(%run_scoped3A : memref<!tpu.dma_semaphore, #tpu.memory_space<semaphore_mem>>) src(%arg3 : memref<128x128xf32, #tpu.memory_space<hbm>>) dst(%arg7 : memref<128x128xf32, #tpu.memory_space<vmem_shared>>)
        tpu.yield
      }) : () -> ()
    } else {
    }
    "tpu.region"() ({
      %run_scoped3A = tpu.sem_alloc : memref<!tpu.dma_semaphore, #tpu.memory_space<semaphore_mem>>
      %dma_start3A_440 = arith.constant 0 : i32
      %dma_start3A_441 = arith.constant 0 : i32
      %dma_start3A_442 = tpu.memref_slice %arg2[%add3A, %dma_start3A_440, %dma_start3A_441] : memref<32x128x128xi32, #tpu.memory_space<hbm>> -> memref<1x128x128xi32, #tpu.memory_space<hbm>>
      %dma_start3A_443 = tpu.memref_squeeze %dma_start3A_442 : memref<1x128x128xi32, #tpu.memory_space<hbm>> -> memref<128x128xi32, #tpu.memory_space<hbm>>
      %dma_start3A_444 = arith.constant 0 : i32
      %dma_start3A_445 = arith.constant 0 : i32
      %dma_start3A_446 = tpu.memref_slice %arg2[%add3A, %dma_start3A_444, %dma_start3A_445] : memref<32x128x128xi32, #tpu.memory_space<hbm>> -> memref<1x128x128xi32, #tpu.memory_space<hbm>>
      %dma_start3A_447 = tpu.memref_squeeze %dma_start3A_446 : memref<1x128x128xi32, #tpu.memory_space<hbm>> -> memref<128x128xi32, #tpu.memory_space<hbm>>
      tpu.enqueue_dma source(%dma_start3A_447 : memref<128x128xi32, #tpu.memory_space<hbm>>) target(%arg5 : memref<128x128xi32, #tpu.memory_space<vmem>>) target_semaphore(%run_scoped3A : memref<!tpu.dma_semaphore, #tpu.memory_space<semaphore_mem>>)
      %dma_wait3A_448 = arith.constant 0 : i32
      %dma_wait3A_449 = arith.constant 0 : i32
      %dma_wait3A_450 = tpu.memref_slice %arg2[%add3A, %dma_wait3A_448, %dma_wait3A_449] : memref<32x128x128xi32, #tpu.memory_space<hbm>> -> memref<1x128x128xi32, #tpu.memory_space<hbm>>
      %dma_wait3A_451 = tpu.memref_squeeze %dma_wait3A_450 : memref<1x128x128xi32, #tpu.memory_space<hbm>> -> memref<128x128xi32, #tpu.memory_space<hbm>>
      %dma_wait3A_452 = arith.constant 0 : i32
      %dma_wait3A_453 = arith.constant 0 : i32
      %dma_wait3A_454 = tpu.memref_slice %arg2[%add3A, %dma_wait3A_452, %dma_wait3A_453] : memref<32x128x128xi32, #tpu.memory_space<hbm>> -> memref<1x128x128xi32, #tpu.memory_space<hbm>>
      %dma_wait3A_455 = tpu.memref_squeeze %dma_wait3A_454 : memref<1x128x128xi32, #tpu.memory_space<hbm>> -> memref<128x128xi32, #tpu.memory_space<hbm>>
      tpu.wait_dma2 semaphore(%run_scoped3A : memref<!tpu.dma_semaphore, #tpu.memory_space<semaphore_mem>>) src(%dma_wait3A_455 : memref<128x128xi32, #tpu.memory_space<hbm>>) dst(%arg5 : memref<128x128xi32, #tpu.memory_space<vmem>>)
      tpu.yield
    }) : () -> ()
    %barrier3A = arith.constant 0 : index
    tpu.barrier barrier_id(%barrier3A)
    %dma_start3A = arith.constant 0 : i32
    %dma_start3A_5 = arith.constant 0 : i32
    %dma_start3A_6 = arith.constant 0 : i32
    %dma_start3A_7 = arith.constant 0 : i32
    %dma_start3A_8 = tpu.memref_slice %arg6[%dma_start3A_5, %dma_start3A_6, %dma_start3A_7] : memref<4x128x128xf32, #tpu.memory_space<vmem>> -> memref<1x128x128xf32, #tpu.memory_space<vmem>>
    %dma_start3A_9 = tpu.memref_squeeze %dma_start3A_8 : memref<1x128x128xf32, #tpu.memory_space<vmem>> -> memref<128x128xf32, #tpu.memory_space<vmem>>
    %dma_start3A_10 = arith.constant 0 : i32
    %dma_start3A_11 = tpu.memref_slice %arg5[%dma_start3A, %dma_start3A_10] : memref<128x128xi32, #tpu.memory_space<vmem>> -> memref<1x128xi32, #tpu.memory_space<vmem>>
    %dma_start3A_12 = tpu.memref_squeeze %dma_start3A_11 : memref<1x128xi32, #tpu.memory_space<vmem>> -> memref<128xi32, #tpu.memory_space<vmem>>
    %dma_start3A_13 = arith.constant 0 : i32
    %dma_start3A_14 = arith.constant 0 : i32
    %dma_start3A_15 = tpu.memref_slice %arg7[%dma_start3A_13, %dma_start3A_14] : memref<128x128xf32, #tpu.memory_space<vmem_shared>> -> memref<128x128xf32, #tpu.memory_space<vmem_shared>>
    tpu.enqueue_indirect_dma source(%dma_start3A_15 : memref<128x128xf32, #tpu.memory_space<vmem_shared>>) target(%dma_start3A_9 : memref<128x128xf32, #tpu.memory_space<vmem>>) offsets(%dma_start3A_12 : memref<128xi32, #tpu.memory_space<vmem>>) semaphore(%arg8 : memref<!tpu.dma_semaphore, #tpu.memory_space<semaphore_mem>>)
    %dma_start3A_16 = arith.constant 1 : i32
    %dma_start3A_17 = arith.constant 1 : i32
    %dma_start3A_18 = arith.constant 0 : i32
    %dma_start3A_19 = arith.constant 0 : i32
    %dma_start3A_20 = tpu.memref_slice %arg6[%dma_start3A_17, %dma_start3A_18, %dma_start3A_19] : memref<4x128x128xf32, #tpu.memory_space<vmem>> -> memref<1x128x128xf32, #tpu.memory_space<vmem>>
    %dma_start3A_21 = tpu.memref_squeeze %dma_start3A_20 : memref<1x128x128xf32, #tpu.memory_space<vmem>> -> memref<128x128xf32, #tpu.memory_space<vmem>>
    %dma_start3A_22 = arith.constant 0 : i32
    %dma_start3A_23 = tpu.memref_slice %arg5[%dma_start3A_16, %dma_start3A_22] : memref<128x128xi32, #tpu.memory_space<vmem>> -> memref<1x128xi32, #tpu.memory_space<vmem>>
    %dma_start3A_24 = tpu.memref_squeeze %dma_start3A_23 : memref<1x128xi32, #tpu.memory_space<vmem>> -> memref<128xi32, #tpu.memory_space<vmem>>
    %dma_start3A_25 = arith.constant 0 : i32
    %dma_start3A_26 = arith.constant 0 : i32
    %dma_start3A_27 = tpu.memref_slice %arg7[%dma_start3A_25, %dma_start3A_26] : memref<128x128xf32, #tpu.memory_space<vmem_shared>> -> memref<128x128xf32, #tpu.memory_space<vmem_shared>>
    tpu.enqueue_indirect_dma source(%dma_start3A_27 : memref<128x128xf32, #tpu.memory_space<vmem_shared>>) target(%dma_start3A_21 : memref<128x128xf32, #tpu.memory_space<vmem>>) offsets(%dma_start3A_24 : memref<128xi32, #tpu.memory_space<vmem>>) semaphore(%arg9 : memref<!tpu.dma_semaphore, #tpu.memory_space<semaphore_mem>>)
    %dma_start3A_28 = arith.constant 2 : i32
    %dma_start3A_29 = arith.constant 2 : i32
    %dma_start3A_30 = arith.constant 0 : i32
    %dma_start3A_31 = arith.constant 0 : i32
    %dma_start3A_32 = tpu.memref_slice %arg6[%dma_start3A_29, %dma_start3A_30, %dma_start3A_31] : memref<4x128x128xf32, #tpu.memory_space<vmem>> -> memref<1x128x128xf32, #tpu.memory_space<vmem>>
    %dma_start3A_33 = tpu.memref_squeeze %dma_start3A_32 : memref<1x128x128xf32, #tpu.memory_space<vmem>> -> memref<128x128xf32, #tpu.memory_space<vmem>>
    %dma_start3A_34 = arith.constant 0 : i32
    %dma_start3A_35 = tpu.memref_slice %arg5[%dma_start3A_28, %dma_start3A_34] : memref<128x128xi32, #tpu.memory_space<vmem>> -> memref<1x128xi32, #tpu.memory_space<vmem>>
    %dma_start3A_36 = tpu.memref_squeeze %dma_start3A_35 : memref<1x128xi32, #tpu.memory_space<vmem>> -> memref<128xi32, #tpu.memory_space<vmem>>
    %dma_start3A_37 = arith.constant 0 : i32
    %dma_start3A_38 = arith.constant 0 : i32
    %dma_start3A_39 = tpu.memref_slice %arg7[%dma_start3A_37, %dma_start3A_38] : memref<128x128xf32, #tpu.memory_space<vmem_shared>> -> memref<128x128xf32, #tpu.memory_space<vmem_shared>>
    tpu.enqueue_indirect_dma source(%dma_start3A_39 : memref<128x128xf32, #tpu.memory_space<vmem_shared>>) target(%dma_start3A_33 : memref<128x128xf32, #tpu.memory_space<vmem>>) offsets(%dma_start3A_36 : memref<128xi32, #tpu.memory_space<vmem>>) semaphore(%arg10 : memref<!tpu.dma_semaphore, #tpu.memory_space<semaphore_mem>>)
    %dma_wait3A = arith.constant 0 : i32
    %dma_wait3A_40 = arith.constant 0 : i32
    %dma_wait3A_41 = arith.constant 0 : i32
    %dma_wait3A_42 = arith.constant 0 : i32
    %dma_wait3A_43 = tpu.memref_slice %arg6[%dma_wait3A_40, %dma_wait3A_41, %dma_wait3A_42] : memref<4x128x128xf32, #tpu.memory_space<vmem>> -> memref<1x128x128xf32, #tpu.memory_space<vmem>>
    %dma_wait3A_44 = tpu.memref_squeeze %dma_wait3A_43 : memref<1x128x128xf32, #tpu.memory_space<vmem>> -> memref<128x128xf32, #tpu.memory_space<vmem>>
    %dma_wait3A_45 = arith.constant 0 : i32
    %dma_wait3A_46 = tpu.memref_slice %arg5[%dma_wait3A, %dma_wait3A_45] : memref<128x128xi32, #tpu.memory_space<vmem>> -> memref<1x128xi32, #tpu.memory_space<vmem>>
    %dma_wait3A_47 = tpu.memref_squeeze %dma_wait3A_46 : memref<1x128xi32, #tpu.memory_space<vmem>> -> memref<128xi32, #tpu.memory_space<vmem>>
    %dma_wait3A_48 = arith.constant 0 : i32
    %dma_wait3A_49 = arith.constant 0 : i32
    %dma_wait3A_50 = tpu.memref_slice %arg7[%dma_wait3A_48, %dma_wait3A_49] : memref<128x128xf32, #tpu.memory_space<vmem_shared>> -> memref<128x128xf32, #tpu.memory_space<vmem_shared>>
    tpu.wait_indirect_dma semaphore(%arg8 : memref<!tpu.dma_semaphore, #tpu.memory_space<semaphore_mem>>) src(%dma_wait3A_50 : memref<128x128xf32, #tpu.memory_space<vmem_shared>>) dst(%dma_wait3A_44 : memref<128x128xf32, #tpu.memory_space<vmem>>)
    %add3A_51 = arith.constant 0 : i32
    %add3A_52 = arith.addi %mul3A_2, %add3A_51 : i32
    %dma_start3A_53 = arith.constant 0 : i32
    %dma_start3A_54 = arith.constant 0 : i32
    %dma_start3A_55 = arith.constant 0 : i32
    %dma_start3A_56 = tpu.memref_slice %arg6[%dma_start3A_53, %dma_start3A_54, %dma_start3A_55] : memref<4x128x128xf32, #tpu.memory_space<vmem>> -> memref<1x128x128xf32, #tpu.memory_space<vmem>>
    %dma_start3A_57 = tpu.memref_squeeze %dma_start3A_56 : memref<1x128x128xf32, #tpu.memory_space<vmem>> -> memref<128x128xf32, #tpu.memory_space<vmem>>
    %dma_start3A_58 = arith.constant 0 : i32
    %dma_start3A_59 = tpu.memref_slice %arg4[%add3A_52, %dma_start3A_58] : memref<524288x128xf32, #tpu.memory_space<hbm>> -> memref<128x128xf32, #tpu.memory_space<hbm>>
    %dma_start3A_60 = arith.constant 0 : i32
    %dma_start3A_61 = tpu.memref_slice %arg4[%add3A_52, %dma_start3A_60] : memref<524288x128xf32, #tpu.memory_space<hbm>> -> memref<128x128xf32, #tpu.memory_space<hbm>>
    %dma_start3A_62 = arith.constant 0 : i32
    %dma_start3A_63 = arith.constant 0 : i32
    %dma_start3A_64 = tpu.memref_slice %arg6[%dma_start3A_53, %dma_start3A_62, %dma_start3A_63] : memref<4x128x128xf32, #tpu.memory_space<vmem>> -> memref<1x128x128xf32, #tpu.memory_space<vmem>>
    %dma_start3A_65 = tpu.memref_squeeze %dma_start3A_64 : memref<1x128x128xf32, #tpu.memory_space<vmem>> -> memref<128x128xf32, #tpu.memory_space<vmem>>
    tpu.enqueue_dma source(%dma_start3A_65 : memref<128x128xf32, #tpu.memory_space<vmem>>) target(%dma_start3A_61 : memref<128x128xf32, #tpu.memory_space<hbm>>) target_semaphore(%arg12 : memref<!tpu.dma_semaphore, #tpu.memory_space<semaphore_mem>>)
    %dma_start3A_66 = arith.constant 3 : i32
    %dma_start3A_67 = arith.constant 3 : i32
    %dma_start3A_68 = arith.constant 0 : i32
    %dma_start3A_69 = arith.constant 0 : i32
    %dma_start3A_70 = tpu.memref_slice %arg6[%dma_start3A_67, %dma_start3A_68, %dma_start3A_69] : memref<4x128x128xf32, #tpu.memory_space<vmem>> -> memref<1x128x128xf32, #tpu.memory_space<vmem>>
    %dma_start3A_71 = tpu.memref_squeeze %dma_start3A_70 : memref<1x128x128xf32, #tpu.memory_space<vmem>> -> memref<128x128xf32, #tpu.memory_space<vmem>>
    %dma_start3A_72 = arith.constant 0 : i32
    %dma_start3A_73 = tpu.memref_slice %arg5[%dma_start3A_66, %dma_start3A_72] : memref<128x128xi32, #tpu.memory_space<vmem>> -> memref<1x128xi32, #tpu.memory_space<vmem>>
    %dma_start3A_74 = tpu.memref_squeeze %dma_start3A_73 : memref<1x128xi32, #tpu.memory_space<vmem>> -> memref<128xi32, #tpu.memory_space<vmem>>
    %dma_start3A_75 = arith.constant 0 : i32
    %dma_start3A_76 = arith.constant 0 : i32
    %dma_start3A_77 = tpu.memref_slice %arg7[%dma_start3A_75, %dma_start3A_76] : memref<128x128xf32, #tpu.memory_space<vmem_shared>> -> memref<128x128xf32, #tpu.memory_space<vmem_shared>>
    tpu.enqueue_indirect_dma source(%dma_start3A_77 : memref<128x128xf32, #tpu.memory_space<vmem_shared>>) target(%dma_start3A_71 : memref<128x128xf32, #tpu.memory_space<vmem>>) offsets(%dma_start3A_74 : memref<128xi32, #tpu.memory_space<vmem>>) semaphore(%arg11 : memref<!tpu.dma_semaphore, #tpu.memory_space<semaphore_mem>>)
    %dma_wait3A_78 = arith.constant 1 : i32
    %dma_wait3A_79 = arith.constant 1 : i32
    %dma_wait3A_80 = arith.constant 0 : i32
    %dma_wait3A_81 = arith.constant 0 : i32
    %dma_wait3A_82 = tpu.memref_slice %arg6[%dma_wait3A_79, %dma_wait3A_80, %dma_wait3A_81] : memref<4x128x128xf32, #tpu.memory_space<vmem>> -> memref<1x128x128xf32, #tpu.memory_space<vmem>>
    %dma_wait3A_83 = tpu.memref_squeeze %dma_wait3A_82 : memref<1x128x128xf32, #tpu.memory_space<vmem>> -> memref<128x128xf32, #tpu.memory_space<vmem>>
    %dma_wait3A_84 = arith.constant 0 : i32
    %dma_wait3A_85 = tpu.memref_slice %arg5[%dma_wait3A_78, %dma_wait3A_84] : memref<128x128xi32, #tpu.memory_space<vmem>> -> memref<1x128xi32, #tpu.memory_space<vmem>>
    %dma_wait3A_86 = tpu.memref_squeeze %dma_wait3A_85 : memref<1x128xi32, #tpu.memory_space<vmem>> -> memref<128xi32, #tpu.memory_space<vmem>>
    %dma_wait3A_87 = arith.constant 0 : i32
    %dma_wait3A_88 = arith.constant 0 : i32
    %dma_wait3A_89 = tpu.memref_slice %arg7[%dma_wait3A_87, %dma_wait3A_88] : memref<128x128xf32, #tpu.memory_space<vmem_shared>> -> memref<128x128xf32, #tpu.memory_space<vmem_shared>>
    tpu.wait_indirect_dma semaphore(%arg9 : memref<!tpu.dma_semaphore, #tpu.memory_space<semaphore_mem>>) src(%dma_wait3A_89 : memref<128x128xf32, #tpu.memory_space<vmem_shared>>) dst(%dma_wait3A_83 : memref<128x128xf32, #tpu.memory_space<vmem>>)
    %add3A_90 = arith.constant 128 : i32
    %add3A_91 = arith.addi %mul3A_2, %add3A_90 : i32
    %dma_start3A_92 = arith.constant 1 : i32
    %dma_start3A_93 = arith.constant 0 : i32
    %dma_start3A_94 = arith.constant 0 : i32
    %dma_start3A_95 = tpu.memref_slice %arg6[%dma_start3A_92, %dma_start3A_93, %dma_start3A_94] : memref<4x128x128xf32, #tpu.memory_space<vmem>> -> memref<1x128x128xf32, #tpu.memory_space<vmem>>
    %dma_start3A_96 = tpu.memref_squeeze %dma_start3A_95 : memref<1x128x128xf32, #tpu.memory_space<vmem>> -> memref<128x128xf32, #tpu.memory_space<vmem>>
    %dma_start3A_97 = arith.constant 0 : i32
    %dma_start3A_98 = tpu.memref_slice %arg4[%add3A_91, %dma_start3A_97] : memref<524288x128xf32, #tpu.memory_space<hbm>> -> memref<128x128xf32, #tpu.memory_space<hbm>>
    %dma_start3A_99 = arith.constant 0 : i32
    %dma_start3A_100 = tpu.memref_slice %arg4[%add3A_91, %dma_start3A_99] : memref<524288x128xf32, #tpu.memory_space<hbm>> -> memref<128x128xf32, #tpu.memory_space<hbm>>
    %dma_start3A_101 = arith.constant 0 : i32
    %dma_start3A_102 = arith.constant 0 : i32
    %dma_start3A_103 = tpu.memref_slice %arg6[%dma_start3A_92, %dma_start3A_101, %dma_start3A_102] : memref<4x128x128xf32, #tpu.memory_space<vmem>> -> memref<1x128x128xf32, #tpu.memory_space<vmem>>
    %dma_start3A_104 = tpu.memref_squeeze %dma_start3A_103 : memref<1x128x128xf32, #tpu.memory_space<vmem>> -> memref<128x128xf32, #tpu.memory_space<vmem>>
    tpu.enqueue_dma source(%dma_start3A_104 : memref<128x128xf32, #tpu.memory_space<vmem>>) target(%dma_start3A_100 : memref<128x128xf32, #tpu.memory_space<hbm>>) target_semaphore(%arg13 : memref<!tpu.dma_semaphore, #tpu.memory_space<semaphore_mem>>)
    %add3A_105 = arith.constant 0 : i32
    %add3A_106 = arith.addi %mul3A_2, %add3A_105 : i32
    %dma_wait3A_107 = arith.constant 0 : i32
    %dma_wait3A_108 = arith.constant 0 : i32
    %dma_wait3A_109 = arith.constant 0 : i32
    %dma_wait3A_110 = tpu.memref_slice %arg6[%dma_wait3A_107, %dma_wait3A_108, %dma_wait3A_109] : memref<4x128x128xf32, #tpu.memory_space<vmem>> -> memref<1x128x128xf32, #tpu.memory_space<vmem>>
    %dma_wait3A_111 = tpu.memref_squeeze %dma_wait3A_110 : memref<1x128x128xf32, #tpu.memory_space<vmem>> -> memref<128x128xf32, #tpu.memory_space<vmem>>
    %dma_wait3A_112 = arith.constant 0 : i32
    %dma_wait3A_113 = tpu.memref_slice %arg4[%add3A_106, %dma_wait3A_112] : memref<524288x128xf32, #tpu.memory_space<hbm>> -> memref<128x128xf32, #tpu.memory_space<hbm>>
    %dma_wait3A_114 = arith.constant 0 : i32
    %dma_wait3A_115 = tpu.memref_slice %arg4[%add3A_106, %dma_wait3A_114] : memref<524288x128xf32, #tpu.memory_space<hbm>> -> memref<128x128xf32, #tpu.memory_space<hbm>>
    %dma_wait3A_116 = arith.constant 0 : i32
    %dma_wait3A_117 = arith.constant 0 : i32
    %dma_wait3A_118 = tpu.memref_slice %arg6[%dma_wait3A_107, %dma_wait3A_116, %dma_wait3A_117] : memref<4x128x128xf32, #tpu.memory_space<vmem>> -> memref<1x128x128xf32, #tpu.memory_space<vmem>>
    %dma_wait3A_119 = tpu.memref_squeeze %dma_wait3A_118 : memref<1x128x128xf32, #tpu.memory_space<vmem>> -> memref<128x128xf32, #tpu.memory_space<vmem>>
    tpu.wait_dma2 semaphore(%arg12 : memref<!tpu.dma_semaphore, #tpu.memory_space<semaphore_mem>>) src(%dma_wait3A_119 : memref<128x128xf32, #tpu.memory_space<vmem>>) dst(%dma_wait3A_115 : memref<128x128xf32, #tpu.memory_space<hbm>>)
    %dma_start3A_120 = arith.constant 4 : i32
    %dma_start3A_121 = arith.constant 0 : i32
    %dma_start3A_122 = arith.constant 0 : i32
    %dma_start3A_123 = arith.constant 0 : i32
    %dma_start3A_124 = tpu.memref_slice %arg6[%dma_start3A_121, %dma_start3A_122, %dma_start3A_123] : memref<4x128x128xf32, #tpu.memory_space<vmem>> -> memref<1x128x128xf32, #tpu.memory_space<vmem>>
    %dma_start3A_125 = tpu.memref_squeeze %dma_start3A_124 : memref<1x128x128xf32, #tpu.memory_space<vmem>> -> memref<128x128xf32, #tpu.memory_space<vmem>>
    %dma_start3A_126 = arith.constant 0 : i32
    %dma_start3A_127 = tpu.memref_slice %arg5[%dma_start3A_120, %dma_start3A_126] : memref<128x128xi32, #tpu.memory_space<vmem>> -> memref<1x128xi32, #tpu.memory_space<vmem>>
    %dma_start3A_128 = tpu.memref_squeeze %dma_start3A_127 : memref<1x128xi32, #tpu.memory_space<vmem>> -> memref<128xi32, #tpu.memory_space<vmem>>
    %dma_start3A_129 = arith.constant 0 : i32
    %dma_start3A_130 = arith.constant 0 : i32
    %dma_start3A_131 = tpu.memref_slice %arg7[%dma_start3A_129, %dma_start3A_130] : memref<128x128xf32, #tpu.memory_space<vmem_shared>> -> memref<128x128xf32, #tpu.memory_space<vmem_shared>>
    tpu.enqueue_indirect_dma source(%dma_start3A_131 : memref<128x128xf32, #tpu.memory_space<vmem_shared>>) target(%dma_start3A_125 : memref<128x128xf32, #tpu.memory_space<vmem>>) offsets(%dma_start3A_128 : memref<128xi32, #tpu.memory_space<vmem>>) semaphore(%arg8 : memref<!tpu.dma_semaphore, #tpu.memory_space<semaphore_mem>>)
    %dma_wait3A_132 = arith.constant 2 : i32
    %dma_wait3A_133 = arith.constant 2 : i32
    %dma_wait3A_134 = arith.constant 0 : i32
    %dma_wait3A_135 = arith.constant 0 : i32
    %dma_wait3A_136 = tpu.memref_slice %arg6[%dma_wait3A_133, %dma_wait3A_134, %dma_wait3A_135] : memref<4x128x128xf32, #tpu.memory_space<vmem>> -> memref<1x128x128xf32, #tpu.memory_space<vmem>>
    %dma_wait3A_137 = tpu.memref_squeeze %dma_wait3A_136 : memref<1x128x128xf32, #tpu.memory_space<vmem>> -> memref<128x128xf32, #tpu.memory_space<vmem>>
    %dma_wait3A_138 = arith.constant 0 : i32
    %dma_wait3A_139 = tpu.memref_slice %arg5[%dma_wait3A_132, %dma_wait3A_138] : memref<128x128xi32, #tpu.memory_space<vmem>> -> memref<1x128xi32, #tpu.memory_space<vmem>>
    %dma_wait3A_140 = tpu.memref_squeeze %dma_wait3A_139 : memref<1x128xi32, #tpu.memory_space<vmem>> -> memref<128xi32, #tpu.memory_space<vmem>>
    %dma_wait3A_141 = arith.constant 0 : i32
    %dma_wait3A_142 = arith.constant 0 : i32
    %dma_wait3A_143 = tpu.memref_slice %arg7[%dma_wait3A_141, %dma_wait3A_142] : memref<128x128xf32, #tpu.memory_space<vmem_shared>> -> memref<128x128xf32, #tpu.memory_space<vmem_shared>>
    tpu.wait_indirect_dma semaphore(%arg10 : memref<!tpu.dma_semaphore, #tpu.memory_space<semaphore_mem>>) src(%dma_wait3A_143 : memref<128x128xf32, #tpu.memory_space<vmem_shared>>) dst(%dma_wait3A_137 : memref<128x128xf32, #tpu.memory_space<vmem>>)
    %add3A_144 = arith.constant 256 : i32
    %add3A_145 = arith.addi %mul3A_2, %add3A_144 : i32
    %dma_start3A_146 = arith.constant 2 : i32
    %dma_start3A_147 = arith.constant 0 : i32
    %dma_start3A_148 = arith.constant 0 : i32
    %dma_start3A_149 = tpu.memref_slice %arg6[%dma_start3A_146, %dma_start3A_147, %dma_start3A_148] : memref<4x128x128xf32, #tpu.memory_space<vmem>> -> memref<1x128x128xf32, #tpu.memory_space<vmem>>
    %dma_start3A_150 = tpu.memref_squeeze %dma_start3A_149 : memref<1x128x128xf32, #tpu.memory_space<vmem>> -> memref<128x128xf32, #tpu.memory_space<vmem>>
    %dma_start3A_151 = arith.constant 0 : i32
    %dma_start3A_152 = tpu.memref_slice %arg4[%add3A_145, %dma_start3A_151] : memref<524288x128xf32, #tpu.memory_space<hbm>> -> memref<128x128xf32, #tpu.memory_space<hbm>>
    %dma_start3A_153 = arith.constant 0 : i32
    %dma_start3A_154 = tpu.memref_slice %arg4[%add3A_145, %dma_start3A_153] : memref<524288x128xf32, #tpu.memory_space<hbm>> -> memref<128x128xf32, #tpu.memory_space<hbm>>
    %dma_start3A_155 = arith.constant 0 : i32
    %dma_start3A_156 = arith.constant 0 : i32
    %dma_start3A_157 = tpu.memref_slice %arg6[%dma_start3A_146, %dma_start3A_155, %dma_start3A_156] : memref<4x128x128xf32, #tpu.memory_space<vmem>> -> memref<1x128x128xf32, #tpu.memory_space<vmem>>
    %dma_start3A_158 = tpu.memref_squeeze %dma_start3A_157 : memref<1x128x128xf32, #tpu.memory_space<vmem>> -> memref<128x128xf32, #tpu.memory_space<vmem>>
    tpu.enqueue_dma source(%dma_start3A_158 : memref<128x128xf32, #tpu.memory_space<vmem>>) target(%dma_start3A_154 : memref<128x128xf32, #tpu.memory_space<hbm>>) target_semaphore(%arg14 : memref<!tpu.dma_semaphore, #tpu.memory_space<semaphore_mem>>)
    %add3A_159 = arith.constant 128 : i32
    %add3A_160 = arith.addi %mul3A_2, %add3A_159 : i32
    %dma_wait3A_161 = arith.constant 1 : i32
    %dma_wait3A_162 = arith.constant 0 : i32
    %dma_wait3A_163 = arith.constant 0 : i32
    %dma_wait3A_164 = tpu.memref_slice %arg6[%dma_wait3A_161, %dma_wait3A_162, %dma_wait3A_163] : memref<4x128x128xf32, #tpu.memory_space<vmem>> -> memref<1x128x128xf32, #tpu.memory_space<vmem>>
    %dma_wait3A_165 = tpu.memref_squeeze %dma_wait3A_164 : memref<1x128x128xf32, #tpu.memory_space<vmem>> -> memref<128x128xf32, #tpu.memory_space<vmem>>
    %dma_wait3A_166 = arith.constant 0 : i32
    %dma_wait3A_167 = tpu.memref_slice %arg4[%add3A_160, %dma_wait3A_166] : memref<524288x128xf32, #tpu.memory_space<hbm>> -> memref<128x128xf32, #tpu.memory_space<hbm>>
    %dma_wait3A_168 = arith.constant 0 : i32
    %dma_wait3A_169 = tpu.memref_slice %arg4[%add3A_160, %dma_wait3A_168] : memref<524288x128xf32, #tpu.memory_space<hbm>> -> memref<128x128xf32, #tpu.memory_space<hbm>>
    %dma_wait3A_170 = arith.constant 0 : i32
    %dma_wait3A_171 = arith.constant 0 : i32
    %dma_wait3A_172 = tpu.memref_slice %arg6[%dma_wait3A_161, %dma_wait3A_170, %dma_wait3A_171] : memref<4x128x128xf32, #tpu.memory_space<vmem>> -> memref<1x128x128xf32, #tpu.memory_space<vmem>>
    %dma_wait3A_173 = tpu.memref_squeeze %dma_wait3A_172 : memref<1x128x128xf32, #tpu.memory_space<vmem>> -> memref<128x128xf32, #tpu.memory_space<vmem>>
    tpu.wait_dma2 semaphore(%arg13 : memref<!tpu.dma_semaphore, #tpu.memory_space<semaphore_mem>>) src(%dma_wait3A_173 : memref<128x128xf32, #tpu.memory_space<vmem>>) dst(%dma_wait3A_169 : memref<128x128xf32, #tpu.memory_space<hbm>>)
    %dma_start3A_174 = arith.constant 5 : i32
    %dma_start3A_175 = arith.constant 1 : i32
    %dma_start3A_176 = arith.constant 0 : i32
    %dma_start3A_177 = arith.constant 0 : i32
    %dma_start3A_178 = tpu.memref_slice %arg6[%dma_start3A_175, %dma_start3A_176, %dma_start3A_177] : memref<4x128x128xf32, #tpu.memory_space<vmem>> -> memref<1x128x128xf32, #tpu.memory_space<vmem>>
    %dma_start3A_179 = tpu.memref_squeeze %dma_start3A_178 : memref<1x128x128xf32, #tpu.memory_space<vmem>> -> memref<128x128xf32, #tpu.memory_space<vmem>>
    %dma_start3A_180 = arith.constant 0 : i32
    %dma_start3A_181 = tpu.memref_slice %arg5[%dma_start3A_174, %dma_start3A_180] : memref<128x128xi32, #tpu.memory_space<vmem>> -> memref<1x128xi32, #tpu.memory_space<vmem>>
    %dma_start3A_182 = tpu.memref_squeeze %dma_start3A_181 : memref<1x128xi32, #tpu.memory_space<vmem>> -> memref<128xi32, #tpu.memory_space<vmem>>
    %dma_start3A_183 = arith.constant 0 : i32
    %dma_start3A_184 = arith.constant 0 : i32
    %dma_start3A_185 = tpu.memref_slice %arg7[%dma_start3A_183, %dma_start3A_184] : memref<128x128xf32, #tpu.memory_space<vmem_shared>> -> memref<128x128xf32, #tpu.memory_space<vmem_shared>>
    tpu.enqueue_indirect_dma source(%dma_start3A_185 : memref<128x128xf32, #tpu.memory_space<vmem_shared>>) target(%dma_start3A_179 : memref<128x128xf32, #tpu.memory_space<vmem>>) offsets(%dma_start3A_182 : memref<128xi32, #tpu.memory_space<vmem>>) semaphore(%arg9 : memref<!tpu.dma_semaphore, #tpu.memory_space<semaphore_mem>>)
    %dma_wait3A_186 = arith.constant 3 : i32
    %dma_wait3A_187 = arith.constant 3 : i32
    %dma_wait3A_188 = arith.constant 0 : i32
    %dma_wait3A_189 = arith.constant 0 : i32
    %dma_wait3A_190 = tpu.memref_slice %arg6[%dma_wait3A_187, %dma_wait3A_188, %dma_wait3A_189] : memref<4x128x128xf32, #tpu.memory_space<vmem>> -> memref<1x128x128xf32, #tpu.memory_space<vmem>>
    %dma_wait3A_191 = tpu.memref_squeeze %dma_wait3A_190 : memref<1x128x128xf32, #tpu.memory_space<vmem>> -> memref<128x128xf32, #tpu.memory_space<vmem>>
    %dma_wait3A_192 = arith.constant 0 : i32
    %dma_wait3A_193 = tpu.memref_slice %arg5[%dma_wait3A_186, %dma_wait3A_192] : memref<128x128xi32, #tpu.memory_space<vmem>> -> memref<1x128xi32, #tpu.memory_space<vmem>>
    %dma_wait3A_194 = tpu.memref_squeeze %dma_wait3A_193 : memref<1x128xi32, #tpu.memory_space<vmem>> -> memref<128xi32, #tpu.memory_space<vmem>>
    %dma_wait3A_195 = arith.constant 0 : i32
    %dma_wait3A_196 = arith.constant 0 : i32
    %dma_wait3A_197 = tpu.memref_slice %arg7[%dma_wait3A_195, %dma_wait3A_196] : memref<128x128xf32, #tpu.memory_space<vmem_shared>> -> memref<128x128xf32, #tpu.memory_space<vmem_shared>>
    tpu.wait_indirect_dma semaphore(%arg11 : memref<!tpu.dma_semaphore, #tpu.memory_space<semaphore_mem>>) src(%dma_wait3A_197 : memref<128x128xf32, #tpu.memory_space<vmem_shared>>) dst(%dma_wait3A_191 : memref<128x128xf32, #tpu.memory_space<vmem>>)
    %add3A_198 = arith.constant 384 : i32
    %add3A_199 = arith.addi %mul3A_2, %add3A_198 : i32
    %dma_start3A_200 = arith.constant 3 : i32
    %dma_start3A_201 = arith.constant 0 : i32
    %dma_start3A_202 = arith.constant 0 : i32
    %dma_start3A_203 = tpu.memref_slice %arg6[%dma_start3A_200, %dma_start3A_201, %dma_start3A_202] : memref<4x128x128xf32, #tpu.memory_space<vmem>> -> memref<1x128x128xf32, #tpu.memory_space<vmem>>
    %dma_start3A_204 = tpu.memref_squeeze %dma_start3A_203 : memref<1x128x128xf32, #tpu.memory_space<vmem>> -> memref<128x128xf32, #tpu.memory_space<vmem>>
    %dma_start3A_205 = arith.constant 0 : i32
    %dma_start3A_206 = tpu.memref_slice %arg4[%add3A_199, %dma_start3A_205] : memref<524288x128xf32, #tpu.memory_space<hbm>> -> memref<128x128xf32, #tpu.memory_space<hbm>>
    %dma_start3A_207 = arith.constant 0 : i32
    %dma_start3A_208 = tpu.memref_slice %arg4[%add3A_199, %dma_start3A_207] : memref<524288x128xf32, #tpu.memory_space<hbm>> -> memref<128x128xf32, #tpu.memory_space<hbm>>
    %dma_start3A_209 = arith.constant 0 : i32
    %dma_start3A_210 = arith.constant 0 : i32
    %dma_start3A_211 = tpu.memref_slice %arg6[%dma_start3A_200, %dma_start3A_209, %dma_start3A_210] : memref<4x128x128xf32, #tpu.memory_space<vmem>> -> memref<1x128x128xf32, #tpu.memory_space<vmem>>
    %dma_start3A_212 = tpu.memref_squeeze %dma_start3A_211 : memref<1x128x128xf32, #tpu.memory_space<vmem>> -> memref<128x128xf32, #tpu.memory_space<vmem>>
    tpu.enqueue_dma source(%dma_start3A_212 : memref<128x128xf32, #tpu.memory_space<vmem>>) target(%dma_start3A_208 : memref<128x128xf32, #tpu.memory_space<hbm>>) target_semaphore(%arg15 : memref<!tpu.dma_semaphore, #tpu.memory_space<semaphore_mem>>)
    %scan3A = arith.constant 0 : i32
    %scan3A_213 = arith.constant 1 : i32
    %scan3A_214 = arith.constant 30 : i32
    %scan3A_215 = arith.addi %scan3A_213, %scan3A_214 : i32
    %scan3A_216 = arith.constant 1 : i32
    scf.for %scan3A_440 = %scan3A_213 to %scan3A_215 step %scan3A_216  : i32 {
      %mul3A_441 = arith.constant 4 : i32
      %mul3A_442 = arith.muli %scan3A_440, %mul3A_441 : i32
      %add3A_443 = arith.constant 0 : i32
      %add3A_444 = arith.addi %mul3A_442, %add3A_443 : i32
      %sub3A = arith.constant 2 : i32
      %sub3A_445 = arith.subi %add3A_444, %sub3A : i32
      %mul3A_446 = arith.constant 128 : i32
      %mul3A_447 = arith.muli %sub3A_445, %mul3A_446 : i32
      %add3A_448 = arith.addi %mul3A_2, %mul3A_447 : i32
      %dma_wait3A_449 = arith.constant 2 : i32
      %dma_wait3A_450 = arith.constant 0 : i32
      %dma_wait3A_451 = arith.constant 0 : i32
      %dma_wait3A_452 = tpu.memref_slice %arg6[%dma_wait3A_449, %dma_wait3A_450, %dma_wait3A_451] : memref<4x128x128xf32, #tpu.memory_space<vmem>> -> memref<1x128x128xf32, #tpu.memory_space<vmem>>
      %dma_wait3A_453 = tpu.memref_squeeze %dma_wait3A_452 : memref<1x128x128xf32, #tpu.memory_space<vmem>> -> memref<128x128xf32, #tpu.memory_space<vmem>>
      %dma_wait3A_454 = arith.constant 0 : i32
      %dma_wait3A_455 = tpu.memref_slice %arg4[%add3A_448, %dma_wait3A_454] : memref<524288x128xf32, #tpu.memory_space<hbm>> -> memref<128x128xf32, #tpu.memory_space<hbm>>
      %dma_wait3A_456 = arith.constant 0 : i32
      %dma_wait3A_457 = tpu.memref_slice %arg4[%add3A_448, %dma_wait3A_456] : memref<524288x128xf32, #tpu.memory_space<hbm>> -> memref<128x128xf32, #tpu.memory_space<hbm>>
      %dma_wait3A_458 = arith.constant 0 : i32
      %dma_wait3A_459 = arith.constant 0 : i32
      %dma_wait3A_460 = tpu.memref_slice %arg6[%dma_wait3A_449, %dma_wait3A_458, %dma_wait3A_459] : memref<4x128x128xf32, #tpu.memory_space<vmem>> -> memref<1x128x128xf32, #tpu.memory_space<vmem>>
      %dma_wait3A_461 = tpu.memref_squeeze %dma_wait3A_460 : memref<1x128x128xf32, #tpu.memory_space<vmem>> -> memref<128x128xf32, #tpu.memory_space<vmem>>
      tpu.wait_dma2 semaphore(%arg14 : memref<!tpu.dma_semaphore, #tpu.memory_space<semaphore_mem>>) src(%dma_wait3A_461 : memref<128x128xf32, #tpu.memory_space<vmem>>) dst(%dma_wait3A_457 : memref<128x128xf32, #tpu.memory_space<hbm>>)
      %add3A_462 = arith.constant 2 : i32
      %add3A_463 = arith.addi %add3A_444, %add3A_462 : i32
      %dma_start3A_464 = arith.constant 2 : i32
      %dma_start3A_465 = arith.constant 0 : i32
      %dma_start3A_466 = arith.constant 0 : i32
      %dma_start3A_467 = tpu.memref_slice %arg6[%dma_start3A_464, %dma_start3A_465, %dma_start3A_466] : memref<4x128x128xf32, #tpu.memory_space<vmem>> -> memref<1x128x128xf32, #tpu.memory_space<vmem>>
      %dma_start3A_468 = tpu.memref_squeeze %dma_start3A_467 : memref<1x128x128xf32, #tpu.memory_space<vmem>> -> memref<128x128xf32, #tpu.memory_space<vmem>>
      %dma_start3A_469 = arith.constant 0 : i32
      %dma_start3A_470 = tpu.memref_slice %arg5[%add3A_463, %dma_start3A_469] : memref<128x128xi32, #tpu.memory_space<vmem>> -> memref<1x128xi32, #tpu.memory_space<vmem>>
      %dma_start3A_471 = tpu.memref_squeeze %dma_start3A_470 : memref<1x128xi32, #tpu.memory_space<vmem>> -> memref<128xi32, #tpu.memory_space<vmem>>
      %dma_start3A_472 = arith.constant 0 : i32
      %dma_start3A_473 = arith.constant 0 : i32
      %dma_start3A_474 = tpu.memref_slice %arg7[%dma_start3A_472, %dma_start3A_473] : memref<128x128xf32, #tpu.memory_space<vmem_shared>> -> memref<128x128xf32, #tpu.memory_space<vmem_shared>>
      tpu.enqueue_indirect_dma source(%dma_start3A_474 : memref<128x128xf32, #tpu.memory_space<vmem_shared>>) target(%dma_start3A_468 : memref<128x128xf32, #tpu.memory_space<vmem>>) offsets(%dma_start3A_471 : memref<128xi32, #tpu.memory_space<vmem>>) semaphore(%arg10 : memref<!tpu.dma_semaphore, #tpu.memory_space<semaphore_mem>>)
      %dma_wait3A_475 = arith.constant 0 : i32
      %dma_wait3A_476 = arith.constant 0 : i32
      %dma_wait3A_477 = arith.constant 0 : i32
      %dma_wait3A_478 = tpu.memref_slice %arg6[%dma_wait3A_475, %dma_wait3A_476, %dma_wait3A_477] : memref<4x128x128xf32, #tpu.memory_space<vmem>> -> memref<1x128x128xf32, #tpu.memory_space<vmem>>
      %dma_wait3A_479 = tpu.memref_squeeze %dma_wait3A_478 : memref<1x128x128xf32, #tpu.memory_space<vmem>> -> memref<128x128xf32, #tpu.memory_space<vmem>>
      %dma_wait3A_480 = arith.constant 0 : i32
      %dma_wait3A_481 = tpu.memref_slice %arg5[%add3A_444, %dma_wait3A_480] : memref<128x128xi32, #tpu.memory_space<vmem>> -> memref<1x128xi32, #tpu.memory_space<vmem>>
      %dma_wait3A_482 = tpu.memref_squeeze %dma_wait3A_481 : memref<1x128xi32, #tpu.memory_space<vmem>> -> memref<128xi32, #tpu.memory_space<vmem>>
      %dma_wait3A_483 = arith.constant 0 : i32
      %dma_wait3A_484 = arith.constant 0 : i32
      %dma_wait3A_485 = tpu.memref_slice %arg7[%dma_wait3A_483, %dma_wait3A_484] : memref<128x128xf32, #tpu.memory_space<vmem_shared>> -> memref<128x128xf32, #tpu.memory_space<vmem_shared>>
      tpu.wait_indirect_dma semaphore(%arg8 : memref<!tpu.dma_semaphore, #tpu.memory_space<semaphore_mem>>) src(%dma_wait3A_485 : memref<128x128xf32, #tpu.memory_space<vmem_shared>>) dst(%dma_wait3A_479 : memref<128x128xf32, #tpu.memory_space<vmem>>)
      %mul3A_486 = arith.constant 128 : i32
      %mul3A_487 = arith.muli %add3A_444, %mul3A_486 : i32
      %add3A_488 = arith.addi %mul3A_2, %mul3A_487 : i32
      %dma_start3A_489 = arith.constant 0 : i32
      %dma_start3A_490 = arith.constant 0 : i32
      %dma_start3A_491 = arith.constant 0 : i32
      %dma_start3A_492 = tpu.memref_slice %arg6[%dma_start3A_489, %dma_start3A_490, %dma_start3A_491] : memref<4x128x128xf32, #tpu.memory_space<vmem>> -> memref<1x128x128xf32, #tpu.memory_space<vmem>>
      %dma_start3A_493 = tpu.memref_squeeze %dma_start3A_492 : memref<1x128x128xf32, #tpu.memory_space<vmem>> -> memref<128x128xf32, #tpu.memory_space<vmem>>
      %dma_start3A_494 = arith.constant 0 : i32
      %dma_start3A_495 = tpu.memref_slice %arg4[%add3A_488, %dma_start3A_494] : memref<524288x128xf32, #tpu.memory_space<hbm>> -> memref<128x128xf32, #tpu.memory_space<hbm>>
      %dma_start3A_496 = arith.constant 0 : i32
      %dma_start3A_497 = tpu.memref_slice %arg4[%add3A_488, %dma_start3A_496] : memref<524288x128xf32, #tpu.memory_space<hbm>> -> memref<128x128xf32, #tpu.memory_space<hbm>>
      %dma_start3A_498 = arith.constant 0 : i32
      %dma_start3A_499 = arith.constant 0 : i32
      %dma_start3A_500 = tpu.memref_slice %arg6[%dma_start3A_489, %dma_start3A_498, %dma_start3A_499] : memref<4x128x128xf32, #tpu.memory_space<vmem>> -> memref<1x128x128xf32, #tpu.memory_space<vmem>>
      %dma_start3A_501 = tpu.memref_squeeze %dma_start3A_500 : memref<1x128x128xf32, #tpu.memory_space<vmem>> -> memref<128x128xf32, #tpu.memory_space<vmem>>
      tpu.enqueue_dma source(%dma_start3A_501 : memref<128x128xf32, #tpu.memory_space<vmem>>) target(%dma_start3A_497 : memref<128x128xf32, #tpu.memory_space<hbm>>) target_semaphore(%arg12 : memref<!tpu.dma_semaphore, #tpu.memory_space<semaphore_mem>>)
      %mul3A_502 = arith.constant 4 : i32
      %mul3A_503 = arith.muli %scan3A_440, %mul3A_502 : i32
      %add3A_504 = arith.constant 1 : i32
      %add3A_505 = arith.addi %mul3A_503, %add3A_504 : i32
      %sub3A_506 = arith.constant 2 : i32
      %sub3A_507 = arith.subi %add3A_505, %sub3A_506 : i32
      %mul3A_508 = arith.constant 128 : i32
      %mul3A_509 = arith.muli %sub3A_507, %mul3A_508 : i32
      %add3A_510 = arith.addi %mul3A_2, %mul3A_509 : i32
      %dma_wait3A_511 = arith.constant 3 : i32
      %dma_wait3A_512 = arith.constant 0 : i32
      %dma_wait3A_513 = arith.constant 0 : i32
      %dma_wait3A_514 = tpu.memref_slice %arg6[%dma_wait3A_511, %dma_wait3A_512, %dma_wait3A_513] : memref<4x128x128xf32, #tpu.memory_space<vmem>> -> memref<1x128x128xf32, #tpu.memory_space<vmem>>
      %dma_wait3A_515 = tpu.memref_squeeze %dma_wait3A_514 : memref<1x128x128xf32, #tpu.memory_space<vmem>> -> memref<128x128xf32, #tpu.memory_space<vmem>>
      %dma_wait3A_516 = arith.constant 0 : i32
      %dma_wait3A_517 = tpu.memref_slice %arg4[%add3A_510, %dma_wait3A_516] : memref<524288x128xf32, #tpu.memory_space<hbm>> -> memref<128x128xf32, #tpu.memory_space<hbm>>
      %dma_wait3A_518 = arith.constant 0 : i32
      %dma_wait3A_519 = tpu.memref_slice %arg4[%add3A_510, %dma_wait3A_518] : memref<524288x128xf32, #tpu.memory_space<hbm>> -> memref<128x128xf32, #tpu.memory_space<hbm>>
      %dma_wait3A_520 = arith.constant 0 : i32
      %dma_wait3A_521 = arith.constant 0 : i32
      %dma_wait3A_522 = tpu.memref_slice %arg6[%dma_wait3A_511, %dma_wait3A_520, %dma_wait3A_521] : memref<4x128x128xf32, #tpu.memory_space<vmem>> -> memref<1x128x128xf32, #tpu.memory_space<vmem>>
      %dma_wait3A_523 = tpu.memref_squeeze %dma_wait3A_522 : memref<1x128x128xf32, #tpu.memory_space<vmem>> -> memref<128x128xf32, #tpu.memory_space<vmem>>
      tpu.wait_dma2 semaphore(%arg15 : memref<!tpu.dma_semaphore, #tpu.memory_space<semaphore_mem>>) src(%dma_wait3A_523 : memref<128x128xf32, #tpu.memory_space<vmem>>) dst(%dma_wait3A_519 : memref<128x128xf32, #tpu.memory_space<hbm>>)
      %add3A_524 = arith.constant 2 : i32
      %add3A_525 = arith.addi %add3A_505, %add3A_524 : i32
      %dma_start3A_526 = arith.constant 3 : i32
      %dma_start3A_527 = arith.constant 0 : i32
      %dma_start3A_528 = arith.constant 0 : i32
      %dma_start3A_529 = tpu.memref_slice %arg6[%dma_start3A_526, %dma_start3A_527, %dma_start3A_528] : memref<4x128x128xf32, #tpu.memory_space<vmem>> -> memref<1x128x128xf32, #tpu.memory_space<vmem>>
      %dma_start3A_530 = tpu.memref_squeeze %dma_start3A_529 : memref<1x128x128xf32, #tpu.memory_space<vmem>> -> memref<128x128xf32, #tpu.memory_space<vmem>>
      %dma_start3A_531 = arith.constant 0 : i32
      %dma_start3A_532 = tpu.memref_slice %arg5[%add3A_525, %dma_start3A_531] : memref<128x128xi32, #tpu.memory_space<vmem>> -> memref<1x128xi32, #tpu.memory_space<vmem>>
      %dma_start3A_533 = tpu.memref_squeeze %dma_start3A_532 : memref<1x128xi32, #tpu.memory_space<vmem>> -> memref<128xi32, #tpu.memory_space<vmem>>
      %dma_start3A_534 = arith.constant 0 : i32
      %dma_start3A_535 = arith.constant 0 : i32
      %dma_start3A_536 = tpu.memref_slice %arg7[%dma_start3A_534, %dma_start3A_535] : memref<128x128xf32, #tpu.memory_space<vmem_shared>> -> memref<128x128xf32, #tpu.memory_space<vmem_shared>>
      tpu.enqueue_indirect_dma source(%dma_start3A_536 : memref<128x128xf32, #tpu.memory_space<vmem_shared>>) target(%dma_start3A_530 : memref<128x128xf32, #tpu.memory_space<vmem>>) offsets(%dma_start3A_533 : memref<128xi32, #tpu.memory_space<vmem>>) semaphore(%arg11 : memref<!tpu.dma_semaphore, #tpu.memory_space<semaphore_mem>>)
      %dma_wait3A_537 = arith.constant 1 : i32
      %dma_wait3A_538 = arith.constant 0 : i32
      %dma_wait3A_539 = arith.constant 0 : i32
      %dma_wait3A_540 = tpu.memref_slice %arg6[%dma_wait3A_537, %dma_wait3A_538, %dma_wait3A_539] : memref<4x128x128xf32, #tpu.memory_space<vmem>> -> memref<1x128x128xf32, #tpu.memory_space<vmem>>
      %dma_wait3A_541 = tpu.memref_squeeze %dma_wait3A_540 : memref<1x128x128xf32, #tpu.memory_space<vmem>> -> memref<128x128xf32, #tpu.memory_space<vmem>>
      %dma_wait3A_542 = arith.constant 0 : i32
      %dma_wait3A_543 = tpu.memref_slice %arg5[%add3A_505, %dma_wait3A_542] : memref<128x128xi32, #tpu.memory_space<vmem>> -> memref<1x128xi32, #tpu.memory_space<vmem>>
      %dma_wait3A_544 = tpu.memref_squeeze %dma_wait3A_543 : memref<1x128xi32, #tpu.memory_space<vmem>> -> memref<128xi32, #tpu.memory_space<vmem>>
      %dma_wait3A_545 = arith.constant 0 : i32
      %dma_wait3A_546 = arith.constant 0 : i32
      %dma_wait3A_547 = tpu.memref_slice %arg7[%dma_wait3A_545, %dma_wait3A_546] : memref<128x128xf32, #tpu.memory_space<vmem_shared>> -> memref<128x128xf32, #tpu.memory_space<vmem_shared>>
      tpu.wait_indirect_dma semaphore(%arg9 : memref<!tpu.dma_semaphore, #tpu.memory_space<semaphore_mem>>) src(%dma_wait3A_547 : memref<128x128xf32, #tpu.memory_space<vmem_shared>>) dst(%dma_wait3A_541 : memref<128x128xf32, #tpu.memory_space<vmem>>)
      %mul3A_548 = arith.constant 128 : i32
      %mul3A_549 = arith.muli %add3A_505, %mul3A_548 : i32
      %add3A_550 = arith.addi %mul3A_2, %mul3A_549 : i32
      %dma_start3A_551 = arith.constant 1 : i32
      %dma_start3A_552 = arith.constant 0 : i32
      %dma_start3A_553 = arith.constant 0 : i32
      %dma_start3A_554 = tpu.memref_slice %arg6[%dma_start3A_551, %dma_start3A_552, %dma_start3A_553] : memref<4x128x128xf32, #tpu.memory_space<vmem>> -> memref<1x128x128xf32, #tpu.memory_space<vmem>>
      %dma_start3A_555 = tpu.memref_squeeze %dma_start3A_554 : memref<1x128x128xf32, #tpu.memory_space<vmem>> -> memref<128x128xf32, #tpu.memory_space<vmem>>
      %dma_start3A_556 = arith.constant 0 : i32
      %dma_start3A_557 = tpu.memref_slice %arg4[%add3A_550, %dma_start3A_556] : memref<524288x128xf32, #tpu.memory_space<hbm>> -> memref<128x128xf32, #tpu.memory_space<hbm>>
      %dma_start3A_558 = arith.constant 0 : i32
      %dma_start3A_559 = tpu.memref_slice %arg4[%add3A_550, %dma_start3A_558] : memref<524288x128xf32, #tpu.memory_space<hbm>> -> memref<128x128xf32, #tpu.memory_space<hbm>>
      %dma_start3A_560 = arith.constant 0 : i32
      %dma_start3A_561 = arith.constant 0 : i32
      %dma_start3A_562 = tpu.memref_slice %arg6[%dma_start3A_551, %dma_start3A_560, %dma_start3A_561] : memref<4x128x128xf32, #tpu.memory_space<vmem>> -> memref<1x128x128xf32, #tpu.memory_space<vmem>>
      %dma_start3A_563 = tpu.memref_squeeze %dma_start3A_562 : memref<1x128x128xf32, #tpu.memory_space<vmem>> -> memref<128x128xf32, #tpu.memory_space<vmem>>
      tpu.enqueue_dma source(%dma_start3A_563 : memref<128x128xf32, #tpu.memory_space<vmem>>) target(%dma_start3A_559 : memref<128x128xf32, #tpu.memory_space<hbm>>) target_semaphore(%arg13 : memref<!tpu.dma_semaphore, #tpu.memory_space<semaphore_mem>>)
      %mul3A_564 = arith.constant 4 : i32
      %mul3A_565 = arith.muli %scan3A_440, %mul3A_564 : i32
      %add3A_566 = arith.constant 2 : i32
      %add3A_567 = arith.addi %mul3A_565, %add3A_566 : i32
      %sub3A_568 = arith.constant 2 : i32
      %sub3A_569 = arith.subi %add3A_567, %sub3A_568 : i32
      %mul3A_570 = arith.constant 128 : i32
      %mul3A_571 = arith.muli %sub3A_569, %mul3A_570 : i32
      %add3A_572 = arith.addi %mul3A_2, %mul3A_571 : i32
      %dma_wait3A_573 = arith.constant 0 : i32
      %dma_wait3A_574 = arith.constant 0 : i32
      %dma_wait3A_575 = arith.constant 0 : i32
      %dma_wait3A_576 = tpu.memref_slice %arg6[%dma_wait3A_573, %dma_wait3A_574, %dma_wait3A_575] : memref<4x128x128xf32, #tpu.memory_space<vmem>> -> memref<1x128x128xf32, #tpu.memory_space<vmem>>
      %dma_wait3A_577 = tpu.memref_squeeze %dma_wait3A_576 : memref<1x128x128xf32, #tpu.memory_space<vmem>> -> memref<128x128xf32, #tpu.memory_space<vmem>>
      %dma_wait3A_578 = arith.constant 0 : i32
      %dma_wait3A_579 = tpu.memref_slice %arg4[%add3A_572, %dma_wait3A_578] : memref<524288x128xf32, #tpu.memory_space<hbm>> -> memref<128x128xf32, #tpu.memory_space<hbm>>
      %dma_wait3A_580 = arith.constant 0 : i32
      %dma_wait3A_581 = tpu.memref_slice %arg4[%add3A_572, %dma_wait3A_580] : memref<524288x128xf32, #tpu.memory_space<hbm>> -> memref<128x128xf32, #tpu.memory_space<hbm>>
      %dma_wait3A_582 = arith.constant 0 : i32
      %dma_wait3A_583 = arith.constant 0 : i32
      %dma_wait3A_584 = tpu.memref_slice %arg6[%dma_wait3A_573, %dma_wait3A_582, %dma_wait3A_583] : memref<4x128x128xf32, #tpu.memory_space<vmem>> -> memref<1x128x128xf32, #tpu.memory_space<vmem>>
      %dma_wait3A_585 = tpu.memref_squeeze %dma_wait3A_584 : memref<1x128x128xf32, #tpu.memory_space<vmem>> -> memref<128x128xf32, #tpu.memory_space<vmem>>
      tpu.wait_dma2 semaphore(%arg12 : memref<!tpu.dma_semaphore, #tpu.memory_space<semaphore_mem>>) src(%dma_wait3A_585 : memref<128x128xf32, #tpu.memory_space<vmem>>) dst(%dma_wait3A_581 : memref<128x128xf32, #tpu.memory_space<hbm>>)
      %add3A_586 = arith.constant 2 : i32
      %add3A_587 = arith.addi %add3A_567, %add3A_586 : i32
      %dma_start3A_588 = arith.constant 0 : i32
      %dma_start3A_589 = arith.constant 0 : i32
      %dma_start3A_590 = arith.constant 0 : i32
      %dma_start3A_591 = tpu.memref_slice %arg6[%dma_start3A_588, %dma_start3A_589, %dma_start3A_590] : memref<4x128x128xf32, #tpu.memory_space<vmem>> -> memref<1x128x128xf32, #tpu.memory_space<vmem>>
      %dma_start3A_592 = tpu.memref_squeeze %dma_start3A_591 : memref<1x128x128xf32, #tpu.memory_space<vmem>> -> memref<128x128xf32, #tpu.memory_space<vmem>>
      %dma_start3A_593 = arith.constant 0 : i32
      %dma_start3A_594 = tpu.memref_slice %arg5[%add3A_587, %dma_start3A_593] : memref<128x128xi32, #tpu.memory_space<vmem>> -> memref<1x128xi32, #tpu.memory_space<vmem>>
      %dma_start3A_595 = tpu.memref_squeeze %dma_start3A_594 : memref<1x128xi32, #tpu.memory_space<vmem>> -> memref<128xi32, #tpu.memory_space<vmem>>
      %dma_start3A_596 = arith.constant 0 : i32
      %dma_start3A_597 = arith.constant 0 : i32
      %dma_start3A_598 = tpu.memref_slice %arg7[%dma_start3A_596, %dma_start3A_597] : memref<128x128xf32, #tpu.memory_space<vmem_shared>> -> memref<128x128xf32, #tpu.memory_space<vmem_shared>>
      tpu.enqueue_indirect_dma source(%dma_start3A_598 : memref<128x128xf32, #tpu.memory_space<vmem_shared>>) target(%dma_start3A_592 : memref<128x128xf32, #tpu.memory_space<vmem>>) offsets(%dma_start3A_595 : memref<128xi32, #tpu.memory_space<vmem>>) semaphore(%arg8 : memref<!tpu.dma_semaphore, #tpu.memory_space<semaphore_mem>>)
      %dma_wait3A_599 = arith.constant 2 : i32
      %dma_wait3A_600 = arith.constant 0 : i32
      %dma_wait3A_601 = arith.constant 0 : i32
      %dma_wait3A_602 = tpu.memref_slice %arg6[%dma_wait3A_599, %dma_wait3A_600, %dma_wait3A_601] : memref<4x128x128xf32, #tpu.memory_space<vmem>> -> memref<1x128x128xf32, #tpu.memory_space<vmem>>
      %dma_wait3A_603 = tpu.memref_squeeze %dma_wait3A_602 : memref<1x128x128xf32, #tpu.memory_space<vmem>> -> memref<128x128xf32, #tpu.memory_space<vmem>>
      %dma_wait3A_604 = arith.constant 0 : i32
      %dma_wait3A_605 = tpu.memref_slice %arg5[%add3A_567, %dma_wait3A_604] : memref<128x128xi32, #tpu.memory_space<vmem>> -> memref<1x128xi32, #tpu.memory_space<vmem>>
      %dma_wait3A_606 = tpu.memref_squeeze %dma_wait3A_605 : memref<1x128xi32, #tpu.memory_space<vmem>> -> memref<128xi32, #tpu.memory_space<vmem>>
      %dma_wait3A_607 = arith.constant 0 : i32
      %dma_wait3A_608 = arith.constant 0 : i32
      %dma_wait3A_609 = tpu.memref_slice %arg7[%dma_wait3A_607, %dma_wait3A_608] : memref<128x128xf32, #tpu.memory_space<vmem_shared>> -> memref<128x128xf32, #tpu.memory_space<vmem_shared>>
      tpu.wait_indirect_dma semaphore(%arg10 : memref<!tpu.dma_semaphore, #tpu.memory_space<semaphore_mem>>) src(%dma_wait3A_609 : memref<128x128xf32, #tpu.memory_space<vmem_shared>>) dst(%dma_wait3A_603 : memref<128x128xf32, #tpu.memory_space<vmem>>)
      %mul3A_610 = arith.constant 128 : i32
      %mul3A_611 = arith.muli %add3A_567, %mul3A_610 : i32
      %add3A_612 = arith.addi %mul3A_2, %mul3A_611 : i32
      %dma_start3A_613 = arith.constant 2 : i32
      %dma_start3A_614 = arith.constant 0 : i32
      %dma_start3A_615 = arith.constant 0 : i32
      %dma_start3A_616 = tpu.memref_slice %arg6[%dma_start3A_613, %dma_start3A_614, %dma_start3A_615] : memref<4x128x128xf32, #tpu.memory_space<vmem>> -> memref<1x128x128xf32, #tpu.memory_space<vmem>>
      %dma_start3A_617 = tpu.memref_squeeze %dma_start3A_616 : memref<1x128x128xf32, #tpu.memory_space<vmem>> -> memref<128x128xf32, #tpu.memory_space<vmem>>
      %dma_start3A_618 = arith.constant 0 : i32
      %dma_start3A_619 = tpu.memref_slice %arg4[%add3A_612, %dma_start3A_618] : memref<524288x128xf32, #tpu.memory_space<hbm>> -> memref<128x128xf32, #tpu.memory_space<hbm>>
      %dma_start3A_620 = arith.constant 0 : i32
      %dma_start3A_621 = tpu.memref_slice %arg4[%add3A_612, %dma_start3A_620] : memref<524288x128xf32, #tpu.memory_space<hbm>> -> memref<128x128xf32, #tpu.memory_space<hbm>>
      %dma_start3A_622 = arith.constant 0 : i32
      %dma_start3A_623 = arith.constant 0 : i32
      %dma_start3A_624 = tpu.memref_slice %arg6[%dma_start3A_613, %dma_start3A_622, %dma_start3A_623] : memref<4x128x128xf32, #tpu.memory_space<vmem>> -> memref<1x128x128xf32, #tpu.memory_space<vmem>>
      %dma_start3A_625 = tpu.memref_squeeze %dma_start3A_624 : memref<1x128x128xf32, #tpu.memory_space<vmem>> -> memref<128x128xf32, #tpu.memory_space<vmem>>
      tpu.enqueue_dma source(%dma_start3A_625 : memref<128x128xf32, #tpu.memory_space<vmem>>) target(%dma_start3A_621 : memref<128x128xf32, #tpu.memory_space<hbm>>) target_semaphore(%arg14 : memref<!tpu.dma_semaphore, #tpu.memory_space<semaphore_mem>>)
      %mul3A_626 = arith.constant 4 : i32
      %mul3A_627 = arith.muli %scan3A_440, %mul3A_626 : i32
      %add3A_628 = arith.constant 3 : i32
      %add3A_629 = arith.addi %mul3A_627, %add3A_628 : i32
      %sub3A_630 = arith.constant 2 : i32
      %sub3A_631 = arith.subi %add3A_629, %sub3A_630 : i32
      %mul3A_632 = arith.constant 128 : i32
      %mul3A_633 = arith.muli %sub3A_631, %mul3A_632 : i32
      %add3A_634 = arith.addi %mul3A_2, %mul3A_633 : i32
      %dma_wait3A_635 = arith.constant 1 : i32
      %dma_wait3A_636 = arith.constant 0 : i32
      %dma_wait3A_637 = arith.constant 0 : i32
      %dma_wait3A_638 = tpu.memref_slice %arg6[%dma_wait3A_635, %dma_wait3A_636, %dma_wait3A_637] : memref<4x128x128xf32, #tpu.memory_space<vmem>> -> memref<1x128x128xf32, #tpu.memory_space<vmem>>
      %dma_wait3A_639 = tpu.memref_squeeze %dma_wait3A_638 : memref<1x128x128xf32, #tpu.memory_space<vmem>> -> memref<128x128xf32, #tpu.memory_space<vmem>>
      %dma_wait3A_640 = arith.constant 0 : i32
      %dma_wait3A_641 = tpu.memref_slice %arg4[%add3A_634, %dma_wait3A_640] : memref<524288x128xf32, #tpu.memory_space<hbm>> -> memref<128x128xf32, #tpu.memory_space<hbm>>
      %dma_wait3A_642 = arith.constant 0 : i32
      %dma_wait3A_643 = tpu.memref_slice %arg4[%add3A_634, %dma_wait3A_642] : memref<524288x128xf32, #tpu.memory_space<hbm>> -> memref<128x128xf32, #tpu.memory_space<hbm>>
      %dma_wait3A_644 = arith.constant 0 : i32
      %dma_wait3A_645 = arith.constant 0 : i32
      %dma_wait3A_646 = tpu.memref_slice %arg6[%dma_wait3A_635, %dma_wait3A_644, %dma_wait3A_645] : memref<4x128x128xf32, #tpu.memory_space<vmem>> -> memref<1x128x128xf32, #tpu.memory_space<vmem>>
      %dma_wait3A_647 = tpu.memref_squeeze %dma_wait3A_646 : memref<1x128x128xf32, #tpu.memory_space<vmem>> -> memref<128x128xf32, #tpu.memory_space<vmem>>
      tpu.wait_dma2 semaphore(%arg13 : memref<!tpu.dma_semaphore, #tpu.memory_space<semaphore_mem>>) src(%dma_wait3A_647 : memref<128x128xf32, #tpu.memory_space<vmem>>) dst(%dma_wait3A_643 : memref<128x128xf32, #tpu.memory_space<hbm>>)
      %add3A_648 = arith.constant 2 : i32
      %add3A_649 = arith.addi %add3A_629, %add3A_648 : i32
      %dma_start3A_650 = arith.constant 1 : i32
      %dma_start3A_651 = arith.constant 0 : i32
      %dma_start3A_652 = arith.constant 0 : i32
      %dma_start3A_653 = tpu.memref_slice %arg6[%dma_start3A_650, %dma_start3A_651, %dma_start3A_652] : memref<4x128x128xf32, #tpu.memory_space<vmem>> -> memref<1x128x128xf32, #tpu.memory_space<vmem>>
      %dma_start3A_654 = tpu.memref_squeeze %dma_start3A_653 : memref<1x128x128xf32, #tpu.memory_space<vmem>> -> memref<128x128xf32, #tpu.memory_space<vmem>>
      %dma_start3A_655 = arith.constant 0 : i32
      %dma_start3A_656 = tpu.memref_slice %arg5[%add3A_649, %dma_start3A_655] : memref<128x128xi32, #tpu.memory_space<vmem>> -> memref<1x128xi32, #tpu.memory_space<vmem>>
      %dma_start3A_657 = tpu.memref_squeeze %dma_start3A_656 : memref<1x128xi32, #tpu.memory_space<vmem>> -> memref<128xi32, #tpu.memory_space<vmem>>
      %dma_start3A_658 = arith.constant 0 : i32
      %dma_start3A_659 = arith.constant 0 : i32
      %dma_start3A_660 = tpu.memref_slice %arg7[%dma_start3A_658, %dma_start3A_659] : memref<128x128xf32, #tpu.memory_space<vmem_shared>> -> memref<128x128xf32, #tpu.memory_space<vmem_shared>>
      tpu.enqueue_indirect_dma source(%dma_start3A_660 : memref<128x128xf32, #tpu.memory_space<vmem_shared>>) target(%dma_start3A_654 : memref<128x128xf32, #tpu.memory_space<vmem>>) offsets(%dma_start3A_657 : memref<128xi32, #tpu.memory_space<vmem>>) semaphore(%arg9 : memref<!tpu.dma_semaphore, #tpu.memory_space<semaphore_mem>>)
      %dma_wait3A_661 = arith.constant 3 : i32
      %dma_wait3A_662 = arith.constant 0 : i32
      %dma_wait3A_663 = arith.constant 0 : i32
      %dma_wait3A_664 = tpu.memref_slice %arg6[%dma_wait3A_661, %dma_wait3A_662, %dma_wait3A_663] : memref<4x128x128xf32, #tpu.memory_space<vmem>> -> memref<1x128x128xf32, #tpu.memory_space<vmem>>
      %dma_wait3A_665 = tpu.memref_squeeze %dma_wait3A_664 : memref<1x128x128xf32, #tpu.memory_space<vmem>> -> memref<128x128xf32, #tpu.memory_space<vmem>>
      %dma_wait3A_666 = arith.constant 0 : i32
      %dma_wait3A_667 = tpu.memref_slice %arg5[%add3A_629, %dma_wait3A_666] : memref<128x128xi32, #tpu.memory_space<vmem>> -> memref<1x128xi32, #tpu.memory_space<vmem>>
      %dma_wait3A_668 = tpu.memref_squeeze %dma_wait3A_667 : memref<1x128xi32, #tpu.memory_space<vmem>> -> memref<128xi32, #tpu.memory_space<vmem>>
      %dma_wait3A_669 = arith.constant 0 : i32
      %dma_wait3A_670 = arith.constant 0 : i32
      %dma_wait3A_671 = tpu.memref_slice %arg7[%dma_wait3A_669, %dma_wait3A_670] : memref<128x128xf32, #tpu.memory_space<vmem_shared>> -> memref<128x128xf32, #tpu.memory_space<vmem_shared>>
      tpu.wait_indirect_dma semaphore(%arg11 : memref<!tpu.dma_semaphore, #tpu.memory_space<semaphore_mem>>) src(%dma_wait3A_671 : memref<128x128xf32, #tpu.memory_space<vmem_shared>>) dst(%dma_wait3A_665 : memref<128x128xf32, #tpu.memory_space<vmem>>)
      %mul3A_672 = arith.constant 128 : i32
      %mul3A_673 = arith.muli %add3A_629, %mul3A_672 : i32
      %add3A_674 = arith.addi %mul3A_2, %mul3A_673 : i32
      %dma_start3A_675 = arith.constant 3 : i32
      %dma_start3A_676 = arith.constant 0 : i32
      %dma_start3A_677 = arith.constant 0 : i32
      %dma_start3A_678 = tpu.memref_slice %arg6[%dma_start3A_675, %dma_start3A_676, %dma_start3A_677] : memref<4x128x128xf32, #tpu.memory_space<vmem>> -> memref<1x128x128xf32, #tpu.memory_space<vmem>>
      %dma_start3A_679 = tpu.memref_squeeze %dma_start3A_678 : memref<1x128x128xf32, #tpu.memory_space<vmem>> -> memref<128x128xf32, #tpu.memory_space<vmem>>
      %dma_start3A_680 = arith.constant 0 : i32
      %dma_start3A_681 = tpu.memref_slice %arg4[%add3A_674, %dma_start3A_680] : memref<524288x128xf32, #tpu.memory_space<hbm>> -> memref<128x128xf32, #tpu.memory_space<hbm>>
      %dma_start3A_682 = arith.constant 0 : i32
      %dma_start3A_683 = tpu.memref_slice %arg4[%add3A_674, %dma_start3A_682] : memref<524288x128xf32, #tpu.memory_space<hbm>> -> memref<128x128xf32, #tpu.memory_space<hbm>>
      %dma_start3A_684 = arith.constant 0 : i32
      %dma_start3A_685 = arith.constant 0 : i32
      %dma_start3A_686 = tpu.memref_slice %arg6[%dma_start3A_675, %dma_start3A_684, %dma_start3A_685] : memref<4x128x128xf32, #tpu.memory_space<vmem>> -> memref<1x128x128xf32, #tpu.memory_space<vmem>>
      %dma_start3A_687 = tpu.memref_squeeze %dma_start3A_686 : memref<1x128x128xf32, #tpu.memory_space<vmem>> -> memref<128x128xf32, #tpu.memory_space<vmem>>
      tpu.enqueue_dma source(%dma_start3A_687 : memref<128x128xf32, #tpu.memory_space<vmem>>) target(%dma_start3A_683 : memref<128x128xf32, #tpu.memory_space<hbm>>) target_semaphore(%arg15 : memref<!tpu.dma_semaphore, #tpu.memory_space<semaphore_mem>>)
    }
    %scan3A_217 = arith.constant 30 : i32
    %add3A_218 = arith.constant 15616 : i32
    %add3A_219 = arith.addi %mul3A_2, %add3A_218 : i32
    %dma_wait3A_220 = arith.constant 2 : i32
    %dma_wait3A_221 = arith.constant 0 : i32
    %dma_wait3A_222 = arith.constant 0 : i32
    %dma_wait3A_223 = tpu.memref_slice %arg6[%dma_wait3A_220, %dma_wait3A_221, %dma_wait3A_222] : memref<4x128x128xf32, #tpu.memory_space<vmem>> -> memref<1x128x128xf32, #tpu.memory_space<vmem>>
    %dma_wait3A_224 = tpu.memref_squeeze %dma_wait3A_223 : memref<1x128x128xf32, #tpu.memory_space<vmem>> -> memref<128x128xf32, #tpu.memory_space<vmem>>
    %dma_wait3A_225 = arith.constant 0 : i32
    %dma_wait3A_226 = tpu.memref_slice %arg4[%add3A_219, %dma_wait3A_225] : memref<524288x128xf32, #tpu.memory_space<hbm>> -> memref<128x128xf32, #tpu.memory_space<hbm>>
    %dma_wait3A_227 = arith.constant 0 : i32
    %dma_wait3A_228 = tpu.memref_slice %arg4[%add3A_219, %dma_wait3A_227] : memref<524288x128xf32, #tpu.memory_space<hbm>> -> memref<128x128xf32, #tpu.memory_space<hbm>>
    %dma_wait3A_229 = arith.constant 0 : i32
    %dma_wait3A_230 = arith.constant 0 : i32
    %dma_wait3A_231 = tpu.memref_slice %arg6[%dma_wait3A_220, %dma_wait3A_229, %dma_wait3A_230] : memref<4x128x128xf32, #tpu.memory_space<vmem>> -> memref<1x128x128xf32, #tpu.memory_space<vmem>>
    %dma_wait3A_232 = tpu.memref_squeeze %dma_wait3A_231 : memref<1x128x128xf32, #tpu.memory_space<vmem>> -> memref<128x128xf32, #tpu.memory_space<vmem>>
    tpu.wait_dma2 semaphore(%arg14 : memref<!tpu.dma_semaphore, #tpu.memory_space<semaphore_mem>>) src(%dma_wait3A_232 : memref<128x128xf32, #tpu.memory_space<vmem>>) dst(%dma_wait3A_228 : memref<128x128xf32, #tpu.memory_space<hbm>>)
    %dma_start3A_233 = arith.constant 126 : i32
    %dma_start3A_234 = arith.constant 2 : i32
    %dma_start3A_235 = arith.constant 0 : i32
    %dma_start3A_236 = arith.constant 0 : i32
    %dma_start3A_237 = tpu.memref_slice %arg6[%dma_start3A_234, %dma_start3A_235, %dma_start3A_236] : memref<4x128x128xf32, #tpu.memory_space<vmem>> -> memref<1x128x128xf32, #tpu.memory_space<vmem>>
    %dma_start3A_238 = tpu.memref_squeeze %dma_start3A_237 : memref<1x128x128xf32, #tpu.memory_space<vmem>> -> memref<128x128xf32, #tpu.memory_space<vmem>>
    %dma_start3A_239 = arith.constant 0 : i32
    %dma_start3A_240 = tpu.memref_slice %arg5[%dma_start3A_233, %dma_start3A_239] : memref<128x128xi32, #tpu.memory_space<vmem>> -> memref<1x128xi32, #tpu.memory_space<vmem>>
    %dma_start3A_241 = tpu.memref_squeeze %dma_start3A_240 : memref<1x128xi32, #tpu.memory_space<vmem>> -> memref<128xi32, #tpu.memory_space<vmem>>
    %dma_start3A_242 = arith.constant 0 : i32
    %dma_start3A_243 = arith.constant 0 : i32
    %dma_start3A_244 = tpu.memref_slice %arg7[%dma_start3A_242, %dma_start3A_243] : memref<128x128xf32, #tpu.memory_space<vmem_shared>> -> memref<128x128xf32, #tpu.memory_space<vmem_shared>>
    tpu.enqueue_indirect_dma source(%dma_start3A_244 : memref<128x128xf32, #tpu.memory_space<vmem_shared>>) target(%dma_start3A_238 : memref<128x128xf32, #tpu.memory_space<vmem>>) offsets(%dma_start3A_241 : memref<128xi32, #tpu.memory_space<vmem>>) semaphore(%arg10 : memref<!tpu.dma_semaphore, #tpu.memory_space<semaphore_mem>>)
    %dma_wait3A_245 = arith.constant 124 : i32
    %dma_wait3A_246 = arith.constant 0 : i32
    %dma_wait3A_247 = arith.constant 0 : i32
    %dma_wait3A_248 = arith.constant 0 : i32
    %dma_wait3A_249 = tpu.memref_slice %arg6[%dma_wait3A_246, %dma_wait3A_247, %dma_wait3A_248] : memref<4x128x128xf32, #tpu.memory_space<vmem>> -> memref<1x128x128xf32, #tpu.memory_space<vmem>>
    %dma_wait3A_250 = tpu.memref_squeeze %dma_wait3A_249 : memref<1x128x128xf32, #tpu.memory_space<vmem>> -> memref<128x128xf32, #tpu.memory_space<vmem>>
    %dma_wait3A_251 = arith.constant 0 : i32
    %dma_wait3A_252 = tpu.memref_slice %arg5[%dma_wait3A_245, %dma_wait3A_251] : memref<128x128xi32, #tpu.memory_space<vmem>> -> memref<1x128xi32, #tpu.memory_space<vmem>>
    %dma_wait3A_253 = tpu.memref_squeeze %dma_wait3A_252 : memref<1x128xi32, #tpu.memory_space<vmem>> -> memref<128xi32, #tpu.memory_space<vmem>>
    %dma_wait3A_254 = arith.constant 0 : i32
    %dma_wait3A_255 = arith.constant 0 : i32
    %dma_wait3A_256 = tpu.memref_slice %arg7[%dma_wait3A_254, %dma_wait3A_255] : memref<128x128xf32, #tpu.memory_space<vmem_shared>> -> memref<128x128xf32, #tpu.memory_space<vmem_shared>>
    tpu.wait_indirect_dma semaphore(%arg8 : memref<!tpu.dma_semaphore, #tpu.memory_space<semaphore_mem>>) src(%dma_wait3A_256 : memref<128x128xf32, #tpu.memory_space<vmem_shared>>) dst(%dma_wait3A_250 : memref<128x128xf32, #tpu.memory_space<vmem>>)
    %add3A_257 = arith.constant 15872 : i32
    %add3A_258 = arith.addi %mul3A_2, %add3A_257 : i32
    %dma_start3A_259 = arith.constant 0 : i32
    %dma_start3A_260 = arith.constant 0 : i32
    %dma_start3A_261 = arith.constant 0 : i32
    %dma_start3A_262 = tpu.memref_slice %arg6[%dma_start3A_259, %dma_start3A_260, %dma_start3A_261] : memref<4x128x128xf32, #tpu.memory_space<vmem>> -> memref<1x128x128xf32, #tpu.memory_space<vmem>>
    %dma_start3A_263 = tpu.memref_squeeze %dma_start3A_262 : memref<1x128x128xf32, #tpu.memory_space<vmem>> -> memref<128x128xf32, #tpu.memory_space<vmem>>
    %dma_start3A_264 = arith.constant 0 : i32
    %dma_start3A_265 = tpu.memref_slice %arg4[%add3A_258, %dma_start3A_264] : memref<524288x128xf32, #tpu.memory_space<hbm>> -> memref<128x128xf32, #tpu.memory_space<hbm>>
    %dma_start3A_266 = arith.constant 0 : i32
    %dma_start3A_267 = tpu.memref_slice %arg4[%add3A_258, %dma_start3A_266] : memref<524288x128xf32, #tpu.memory_space<hbm>> -> memref<128x128xf32, #tpu.memory_space<hbm>>
    %dma_start3A_268 = arith.constant 0 : i32
    %dma_start3A_269 = arith.constant 0 : i32
    %dma_start3A_270 = tpu.memref_slice %arg6[%dma_start3A_259, %dma_start3A_268, %dma_start3A_269] : memref<4x128x128xf32, #tpu.memory_space<vmem>> -> memref<1x128x128xf32, #tpu.memory_space<vmem>>
    %dma_start3A_271 = tpu.memref_squeeze %dma_start3A_270 : memref<1x128x128xf32, #tpu.memory_space<vmem>> -> memref<128x128xf32, #tpu.memory_space<vmem>>
    tpu.enqueue_dma source(%dma_start3A_271 : memref<128x128xf32, #tpu.memory_space<vmem>>) target(%dma_start3A_267 : memref<128x128xf32, #tpu.memory_space<hbm>>) target_semaphore(%arg12 : memref<!tpu.dma_semaphore, #tpu.memory_space<semaphore_mem>>)
    %add3A_272 = arith.constant 15744 : i32
    %add3A_273 = arith.addi %mul3A_2, %add3A_272 : i32
    %dma_wait3A_274 = arith.constant 3 : i32
    %dma_wait3A_275 = arith.constant 0 : i32
    %dma_wait3A_276 = arith.constant 0 : i32
    %dma_wait3A_277 = tpu.memref_slice %arg6[%dma_wait3A_274, %dma_wait3A_275, %dma_wait3A_276] : memref<4x128x128xf32, #tpu.memory_space<vmem>> -> memref<1x128x128xf32, #tpu.memory_space<vmem>>
    %dma_wait3A_278 = tpu.memref_squeeze %dma_wait3A_277 : memref<1x128x128xf32, #tpu.memory_space<vmem>> -> memref<128x128xf32, #tpu.memory_space<vmem>>
    %dma_wait3A_279 = arith.constant 0 : i32
    %dma_wait3A_280 = tpu.memref_slice %arg4[%add3A_273, %dma_wait3A_279] : memref<524288x128xf32, #tpu.memory_space<hbm>> -> memref<128x128xf32, #tpu.memory_space<hbm>>
    %dma_wait3A_281 = arith.constant 0 : i32
    %dma_wait3A_282 = tpu.memref_slice %arg4[%add3A_273, %dma_wait3A_281] : memref<524288x128xf32, #tpu.memory_space<hbm>> -> memref<128x128xf32, #tpu.memory_space<hbm>>
    %dma_wait3A_283 = arith.constant 0 : i32
    %dma_wait3A_284 = arith.constant 0 : i32
    %dma_wait3A_285 = tpu.memref_slice %arg6[%dma_wait3A_274, %dma_wait3A_283, %dma_wait3A_284] : memref<4x128x128xf32, #tpu.memory_space<vmem>> -> memref<1x128x128xf32, #tpu.memory_space<vmem>>
    %dma_wait3A_286 = tpu.memref_squeeze %dma_wait3A_285 : memref<1x128x128xf32, #tpu.memory_space<vmem>> -> memref<128x128xf32, #tpu.memory_space<vmem>>
    tpu.wait_dma2 semaphore(%arg15 : memref<!tpu.dma_semaphore, #tpu.memory_space<semaphore_mem>>) src(%dma_wait3A_286 : memref<128x128xf32, #tpu.memory_space<vmem>>) dst(%dma_wait3A_282 : memref<128x128xf32, #tpu.memory_space<hbm>>)
    %dma_start3A_287 = arith.constant 127 : i32
    %dma_start3A_288 = arith.constant 3 : i32
    %dma_start3A_289 = arith.constant 0 : i32
    %dma_start3A_290 = arith.constant 0 : i32
    %dma_start3A_291 = tpu.memref_slice %arg6[%dma_start3A_288, %dma_start3A_289, %dma_start3A_290] : memref<4x128x128xf32, #tpu.memory_space<vmem>> -> memref<1x128x128xf32, #tpu.memory_space<vmem>>
    %dma_start3A_292 = tpu.memref_squeeze %dma_start3A_291 : memref<1x128x128xf32, #tpu.memory_space<vmem>> -> memref<128x128xf32, #tpu.memory_space<vmem>>
    %dma_start3A_293 = arith.constant 0 : i32
    %dma_start3A_294 = tpu.memref_slice %arg5[%dma_start3A_287, %dma_start3A_293] : memref<128x128xi32, #tpu.memory_space<vmem>> -> memref<1x128xi32, #tpu.memory_space<vmem>>
    %dma_start3A_295 = tpu.memref_squeeze %dma_start3A_294 : memref<1x128xi32, #tpu.memory_space<vmem>> -> memref<128xi32, #tpu.memory_space<vmem>>
    %dma_start3A_296 = arith.constant 0 : i32
    %dma_start3A_297 = arith.constant 0 : i32
    %dma_start3A_298 = tpu.memref_slice %arg7[%dma_start3A_296, %dma_start3A_297] : memref<128x128xf32, #tpu.memory_space<vmem_shared>> -> memref<128x128xf32, #tpu.memory_space<vmem_shared>>
    tpu.enqueue_indirect_dma source(%dma_start3A_298 : memref<128x128xf32, #tpu.memory_space<vmem_shared>>) target(%dma_start3A_292 : memref<128x128xf32, #tpu.memory_space<vmem>>) offsets(%dma_start3A_295 : memref<128xi32, #tpu.memory_space<vmem>>) semaphore(%arg11 : memref<!tpu.dma_semaphore, #tpu.memory_space<semaphore_mem>>)
    %dma_wait3A_299 = arith.constant 125 : i32
    %dma_wait3A_300 = arith.constant 1 : i32
    %dma_wait3A_301 = arith.constant 0 : i32
    %dma_wait3A_302 = arith.constant 0 : i32
    %dma_wait3A_303 = tpu.memref_slice %arg6[%dma_wait3A_300, %dma_wait3A_301, %dma_wait3A_302] : memref<4x128x128xf32, #tpu.memory_space<vmem>> -> memref<1x128x128xf32, #tpu.memory_space<vmem>>
    %dma_wait3A_304 = tpu.memref_squeeze %dma_wait3A_303 : memref<1x128x128xf32, #tpu.memory_space<vmem>> -> memref<128x128xf32, #tpu.memory_space<vmem>>
    %dma_wait3A_305 = arith.constant 0 : i32
    %dma_wait3A_306 = tpu.memref_slice %arg5[%dma_wait3A_299, %dma_wait3A_305] : memref<128x128xi32, #tpu.memory_space<vmem>> -> memref<1x128xi32, #tpu.memory_space<vmem>>
    %dma_wait3A_307 = tpu.memref_squeeze %dma_wait3A_306 : memref<1x128xi32, #tpu.memory_space<vmem>> -> memref<128xi32, #tpu.memory_space<vmem>>
    %dma_wait3A_308 = arith.constant 0 : i32
    %dma_wait3A_309 = arith.constant 0 : i32
    %dma_wait3A_310 = tpu.memref_slice %arg7[%dma_wait3A_308, %dma_wait3A_309] : memref<128x128xf32, #tpu.memory_space<vmem_shared>> -> memref<128x128xf32, #tpu.memory_space<vmem_shared>>
    tpu.wait_indirect_dma semaphore(%arg9 : memref<!tpu.dma_semaphore, #tpu.memory_space<semaphore_mem>>) src(%dma_wait3A_310 : memref<128x128xf32, #tpu.memory_space<vmem_shared>>) dst(%dma_wait3A_304 : memref<128x128xf32, #tpu.memory_space<vmem>>)
    %add3A_311 = arith.constant 16000 : i32
    %add3A_312 = arith.addi %mul3A_2, %add3A_311 : i32
    %dma_start3A_313 = arith.constant 1 : i32
    %dma_start3A_314 = arith.constant 0 : i32
    %dma_start3A_315 = arith.constant 0 : i32
    %dma_start3A_316 = tpu.memref_slice %arg6[%dma_start3A_313, %dma_start3A_314, %dma_start3A_315] : memref<4x128x128xf32, #tpu.memory_space<vmem>> -> memref<1x128x128xf32, #tpu.memory_space<vmem>>
    %dma_start3A_317 = tpu.memref_squeeze %dma_start3A_316 : memref<1x128x128xf32, #tpu.memory_space<vmem>> -> memref<128x128xf32, #tpu.memory_space<vmem>>
    %dma_start3A_318 = arith.constant 0 : i32
    %dma_start3A_319 = tpu.memref_slice %arg4[%add3A_312, %dma_start3A_318] : memref<524288x128xf32, #tpu.memory_space<hbm>> -> memref<128x128xf32, #tpu.memory_space<hbm>>
    %dma_start3A_320 = arith.constant 0 : i32
    %dma_start3A_321 = tpu.memref_slice %arg4[%add3A_312, %dma_start3A_320] : memref<524288x128xf32, #tpu.memory_space<hbm>> -> memref<128x128xf32, #tpu.memory_space<hbm>>
    %dma_start3A_322 = arith.constant 0 : i32
    %dma_start3A_323 = arith.constant 0 : i32
    %dma_start3A_324 = tpu.memref_slice %arg6[%dma_start3A_313, %dma_start3A_322, %dma_start3A_323] : memref<4x128x128xf32, #tpu.memory_space<vmem>> -> memref<1x128x128xf32, #tpu.memory_space<vmem>>
    %dma_start3A_325 = tpu.memref_squeeze %dma_start3A_324 : memref<1x128x128xf32, #tpu.memory_space<vmem>> -> memref<128x128xf32, #tpu.memory_space<vmem>>
    tpu.enqueue_dma source(%dma_start3A_325 : memref<128x128xf32, #tpu.memory_space<vmem>>) target(%dma_start3A_321 : memref<128x128xf32, #tpu.memory_space<hbm>>) target_semaphore(%arg13 : memref<!tpu.dma_semaphore, #tpu.memory_space<semaphore_mem>>)
    %add3A_326 = arith.constant 15872 : i32
    %add3A_327 = arith.addi %mul3A_2, %add3A_326 : i32
    %dma_wait3A_328 = arith.constant 0 : i32
    %dma_wait3A_329 = arith.constant 0 : i32
    %dma_wait3A_330 = arith.constant 0 : i32
    %dma_wait3A_331 = tpu.memref_slice %arg6[%dma_wait3A_328, %dma_wait3A_329, %dma_wait3A_330] : memref<4x128x128xf32, #tpu.memory_space<vmem>> -> memref<1x128x128xf32, #tpu.memory_space<vmem>>
    %dma_wait3A_332 = tpu.memref_squeeze %dma_wait3A_331 : memref<1x128x128xf32, #tpu.memory_space<vmem>> -> memref<128x128xf32, #tpu.memory_space<vmem>>
    %dma_wait3A_333 = arith.constant 0 : i32
    %dma_wait3A_334 = tpu.memref_slice %arg4[%add3A_327, %dma_wait3A_333] : memref<524288x128xf32, #tpu.memory_space<hbm>> -> memref<128x128xf32, #tpu.memory_space<hbm>>
    %dma_wait3A_335 = arith.constant 0 : i32
    %dma_wait3A_336 = tpu.memref_slice %arg4[%add3A_327, %dma_wait3A_335] : memref<524288x128xf32, #tpu.memory_space<hbm>> -> memref<128x128xf32, #tpu.memory_space<hbm>>
    %dma_wait3A_337 = arith.constant 0 : i32
    %dma_wait3A_338 = arith.constant 0 : i32
    %dma_wait3A_339 = tpu.memref_slice %arg6[%dma_wait3A_328, %dma_wait3A_337, %dma_wait3A_338] : memref<4x128x128xf32, #tpu.memory_space<vmem>> -> memref<1x128x128xf32, #tpu.memory_space<vmem>>
    %dma_wait3A_340 = tpu.memref_squeeze %dma_wait3A_339 : memref<1x128x128xf32, #tpu.memory_space<vmem>> -> memref<128x128xf32, #tpu.memory_space<vmem>>
    tpu.wait_dma2 semaphore(%arg12 : memref<!tpu.dma_semaphore, #tpu.memory_space<semaphore_mem>>) src(%dma_wait3A_340 : memref<128x128xf32, #tpu.memory_space<vmem>>) dst(%dma_wait3A_336 : memref<128x128xf32, #tpu.memory_space<hbm>>)
    %dma_wait3A_341 = arith.constant 126 : i32
    %dma_wait3A_342 = arith.constant 2 : i32
    %dma_wait3A_343 = arith.constant 0 : i32
    %dma_wait3A_344 = arith.constant 0 : i32
    %dma_wait3A_345 = tpu.memref_slice %arg6[%dma_wait3A_342, %dma_wait3A_343, %dma_wait3A_344] : memref<4x128x128xf32, #tpu.memory_space<vmem>> -> memref<1x128x128xf32, #tpu.memory_space<vmem>>
    %dma_wait3A_346 = tpu.memref_squeeze %dma_wait3A_345 : memref<1x128x128xf32, #tpu.memory_space<vmem>> -> memref<128x128xf32, #tpu.memory_space<vmem>>
    %dma_wait3A_347 = arith.constant 0 : i32
    %dma_wait3A_348 = tpu.memref_slice %arg5[%dma_wait3A_341, %dma_wait3A_347] : memref<128x128xi32, #tpu.memory_space<vmem>> -> memref<1x128xi32, #tpu.memory_space<vmem>>
    %dma_wait3A_349 = tpu.memref_squeeze %dma_wait3A_348 : memref<1x128xi32, #tpu.memory_space<vmem>> -> memref<128xi32, #tpu.memory_space<vmem>>
    %dma_wait3A_350 = arith.constant 0 : i32
    %dma_wait3A_351 = arith.constant 0 : i32
    %dma_wait3A_352 = tpu.memref_slice %arg7[%dma_wait3A_350, %dma_wait3A_351] : memref<128x128xf32, #tpu.memory_space<vmem_shared>> -> memref<128x128xf32, #tpu.memory_space<vmem_shared>>
    tpu.wait_indirect_dma semaphore(%arg10 : memref<!tpu.dma_semaphore, #tpu.memory_space<semaphore_mem>>) src(%dma_wait3A_352 : memref<128x128xf32, #tpu.memory_space<vmem_shared>>) dst(%dma_wait3A_346 : memref<128x128xf32, #tpu.memory_space<vmem>>)
    %add3A_353 = arith.constant 16128 : i32
    %add3A_354 = arith.addi %mul3A_2, %add3A_353 : i32
    %dma_start3A_355 = arith.constant 2 : i32
    %dma_start3A_356 = arith.constant 0 : i32
    %dma_start3A_357 = arith.constant 0 : i32
    %dma_start3A_358 = tpu.memref_slice %arg6[%dma_start3A_355, %dma_start3A_356, %dma_start3A_357] : memref<4x128x128xf32, #tpu.memory_space<vmem>> -> memref<1x128x128xf32, #tpu.memory_space<vmem>>
    %dma_start3A_359 = tpu.memref_squeeze %dma_start3A_358 : memref<1x128x128xf32, #tpu.memory_space<vmem>> -> memref<128x128xf32, #tpu.memory_space<vmem>>
    %dma_start3A_360 = arith.constant 0 : i32
    %dma_start3A_361 = tpu.memref_slice %arg4[%add3A_354, %dma_start3A_360] : memref<524288x128xf32, #tpu.memory_space<hbm>> -> memref<128x128xf32, #tpu.memory_space<hbm>>
    %dma_start3A_362 = arith.constant 0 : i32
    %dma_start3A_363 = tpu.memref_slice %arg4[%add3A_354, %dma_start3A_362] : memref<524288x128xf32, #tpu.memory_space<hbm>> -> memref<128x128xf32, #tpu.memory_space<hbm>>
    %dma_start3A_364 = arith.constant 0 : i32
    %dma_start3A_365 = arith.constant 0 : i32
    %dma_start3A_366 = tpu.memref_slice %arg6[%dma_start3A_355, %dma_start3A_364, %dma_start3A_365] : memref<4x128x128xf32, #tpu.memory_space<vmem>> -> memref<1x128x128xf32, #tpu.memory_space<vmem>>
    %dma_start3A_367 = tpu.memref_squeeze %dma_start3A_366 : memref<1x128x128xf32, #tpu.memory_space<vmem>> -> memref<128x128xf32, #tpu.memory_space<vmem>>
    tpu.enqueue_dma source(%dma_start3A_367 : memref<128x128xf32, #tpu.memory_space<vmem>>) target(%dma_start3A_363 : memref<128x128xf32, #tpu.memory_space<hbm>>) target_semaphore(%arg14 : memref<!tpu.dma_semaphore, #tpu.memory_space<semaphore_mem>>)
    %add3A_368 = arith.constant 16000 : i32
    %add3A_369 = arith.addi %mul3A_2, %add3A_368 : i32
    %dma_wait3A_370 = arith.constant 1 : i32
    %dma_wait3A_371 = arith.constant 0 : i32
    %dma_wait3A_372 = arith.constant 0 : i32
    %dma_wait3A_373 = tpu.memref_slice %arg6[%dma_wait3A_370, %dma_wait3A_371, %dma_wait3A_372] : memref<4x128x128xf32, #tpu.memory_space<vmem>> -> memref<1x128x128xf32, #tpu.memory_space<vmem>>
    %dma_wait3A_374 = tpu.memref_squeeze %dma_wait3A_373 : memref<1x128x128xf32, #tpu.memory_space<vmem>> -> memref<128x128xf32, #tpu.memory_space<vmem>>
    %dma_wait3A_375 = arith.constant 0 : i32
    %dma_wait3A_376 = tpu.memref_slice %arg4[%add3A_369, %dma_wait3A_375] : memref<524288x128xf32, #tpu.memory_space<hbm>> -> memref<128x128xf32, #tpu.memory_space<hbm>>
    %dma_wait3A_377 = arith.constant 0 : i32
    %dma_wait3A_378 = tpu.memref_slice %arg4[%add3A_369, %dma_wait3A_377] : memref<524288x128xf32, #tpu.memory_space<hbm>> -> memref<128x128xf32, #tpu.memory_space<hbm>>
    %dma_wait3A_379 = arith.constant 0 : i32
    %dma_wait3A_380 = arith.constant 0 : i32
    %dma_wait3A_381 = tpu.memref_slice %arg6[%dma_wait3A_370, %dma_wait3A_379, %dma_wait3A_380] : memref<4x128x128xf32, #tpu.memory_space<vmem>> -> memref<1x128x128xf32, #tpu.memory_space<vmem>>
    %dma_wait3A_382 = tpu.memref_squeeze %dma_wait3A_381 : memref<1x128x128xf32, #tpu.memory_space<vmem>> -> memref<128x128xf32, #tpu.memory_space<vmem>>
    tpu.wait_dma2 semaphore(%arg13 : memref<!tpu.dma_semaphore, #tpu.memory_space<semaphore_mem>>) src(%dma_wait3A_382 : memref<128x128xf32, #tpu.memory_space<vmem>>) dst(%dma_wait3A_378 : memref<128x128xf32, #tpu.memory_space<hbm>>)
    %dma_wait3A_383 = arith.constant 127 : i32
    %dma_wait3A_384 = arith.constant 3 : i32
    %dma_wait3A_385 = arith.constant 0 : i32
    %dma_wait3A_386 = arith.constant 0 : i32
    %dma_wait3A_387 = tpu.memref_slice %arg6[%dma_wait3A_384, %dma_wait3A_385, %dma_wait3A_386] : memref<4x128x128xf32, #tpu.memory_space<vmem>> -> memref<1x128x128xf32, #tpu.memory_space<vmem>>
    %dma_wait3A_388 = tpu.memref_squeeze %dma_wait3A_387 : memref<1x128x128xf32, #tpu.memory_space<vmem>> -> memref<128x128xf32, #tpu.memory_space<vmem>>
    %dma_wait3A_389 = arith.constant 0 : i32
    %dma_wait3A_390 = tpu.memref_slice %arg5[%dma_wait3A_383, %dma_wait3A_389] : memref<128x128xi32, #tpu.memory_space<vmem>> -> memref<1x128xi32, #tpu.memory_space<vmem>>
    %dma_wait3A_391 = tpu.memref_squeeze %dma_wait3A_390 : memref<1x128xi32, #tpu.memory_space<vmem>> -> memref<128xi32, #tpu.memory_space<vmem>>
    %dma_wait3A_392 = arith.constant 0 : i32
    %dma_wait3A_393 = arith.constant 0 : i32
    %dma_wait3A_394 = tpu.memref_slice %arg7[%dma_wait3A_392, %dma_wait3A_393] : memref<128x128xf32, #tpu.memory_space<vmem_shared>> -> memref<128x128xf32, #tpu.memory_space<vmem_shared>>
    tpu.wait_indirect_dma semaphore(%arg11 : memref<!tpu.dma_semaphore, #tpu.memory_space<semaphore_mem>>) src(%dma_wait3A_394 : memref<128x128xf32, #tpu.memory_space<vmem_shared>>) dst(%dma_wait3A_388 : memref<128x128xf32, #tpu.memory_space<vmem>>)
    %add3A_395 = arith.constant 16256 : i32
    %add3A_396 = arith.addi %mul3A_2, %add3A_395 : i32
    %dma_start3A_397 = arith.constant 3 : i32
    %dma_start3A_398 = arith.constant 0 : i32
    %dma_start3A_399 = arith.constant 0 : i32
    %dma_start3A_400 = tpu.memref_slice %arg6[%dma_start3A_397, %dma_start3A_398, %dma_start3A_399] : memref<4x128x128xf32, #tpu.memory_space<vmem>> -> memref<1x128x128xf32, #tpu.memory_space<vmem>>
    %dma_start3A_401 = tpu.memref_squeeze %dma_start3A_400 : memref<1x128x128xf32, #tpu.memory_space<vmem>> -> memref<128x128xf32, #tpu.memory_space<vmem>>
    %dma_start3A_402 = arith.constant 0 : i32
    %dma_start3A_403 = tpu.memref_slice %arg4[%add3A_396, %dma_start3A_402] : memref<524288x128xf32, #tpu.memory_space<hbm>> -> memref<128x128xf32, #tpu.memory_space<hbm>>
    %dma_start3A_404 = arith.constant 0 : i32
    %dma_start3A_405 = tpu.memref_slice %arg4[%add3A_396, %dma_start3A_404] : memref<524288x128xf32, #tpu.memory_space<hbm>> -> memref<128x128xf32, #tpu.memory_space<hbm>>
    %dma_start3A_406 = arith.constant 0 : i32
    %dma_start3A_407 = arith.constant 0 : i32
    %dma_start3A_408 = tpu.memref_slice %arg6[%dma_start3A_397, %dma_start3A_406, %dma_start3A_407] : memref<4x128x128xf32, #tpu.memory_space<vmem>> -> memref<1x128x128xf32, #tpu.memory_space<vmem>>
    %dma_start3A_409 = tpu.memref_squeeze %dma_start3A_408 : memref<1x128x128xf32, #tpu.memory_space<vmem>> -> memref<128x128xf32, #tpu.memory_space<vmem>>
    tpu.enqueue_dma source(%dma_start3A_409 : memref<128x128xf32, #tpu.memory_space<vmem>>) target(%dma_start3A_405 : memref<128x128xf32, #tpu.memory_space<hbm>>) target_semaphore(%arg15 : memref<!tpu.dma_semaphore, #tpu.memory_space<semaphore_mem>>)
    %add3A_410 = arith.constant 16128 : i32
    %add3A_411 = arith.addi %mul3A_2, %add3A_410 : i32
    %dma_wait3A_412 = arith.constant 2 : i32
    %dma_wait3A_413 = arith.constant 0 : i32
    %dma_wait3A_414 = arith.constant 0 : i32
    %dma_wait3A_415 = tpu.memref_slice %arg6[%dma_wait3A_412, %dma_wait3A_413, %dma_wait3A_414] : memref<4x128x128xf32, #tpu.memory_space<vmem>> -> memref<1x128x128xf32, #tpu.memory_space<vmem>>
    %dma_wait3A_416 = tpu.memref_squeeze %dma_wait3A_415 : memref<1x128x128xf32, #tpu.memory_space<vmem>> -> memref<128x128xf32, #tpu.memory_space<vmem>>
    %dma_wait3A_417 = arith.constant 0 : i32
    %dma_wait3A_418 = tpu.memref_slice %arg4[%add3A_411, %dma_wait3A_417] : memref<524288x128xf32, #tpu.memory_space<hbm>> -> memref<128x128xf32, #tpu.memory_space<hbm>>
    %dma_wait3A_419 = arith.constant 0 : i32
    %dma_wait3A_420 = tpu.memref_slice %arg4[%add3A_411, %dma_wait3A_419] : memref<524288x128xf32, #tpu.memory_space<hbm>> -> memref<128x128xf32, #tpu.memory_space<hbm>>
    %dma_wait3A_421 = arith.constant 0 : i32
    %dma_wait3A_422 = arith.constant 0 : i32
    %dma_wait3A_423 = tpu.memref_slice %arg6[%dma_wait3A_412, %dma_wait3A_421, %dma_wait3A_422] : memref<4x128x128xf32, #tpu.memory_space<vmem>> -> memref<1x128x128xf32, #tpu.memory_space<vmem>>
    %dma_wait3A_424 = tpu.memref_squeeze %dma_wait3A_423 : memref<1x128x128xf32, #tpu.memory_space<vmem>> -> memref<128x128xf32, #tpu.memory_space<vmem>>
    tpu.wait_dma2 semaphore(%arg14 : memref<!tpu.dma_semaphore, #tpu.memory_space<semaphore_mem>>) src(%dma_wait3A_424 : memref<128x128xf32, #tpu.memory_space<vmem>>) dst(%dma_wait3A_420 : memref<128x128xf32, #tpu.memory_space<hbm>>)
    %add3A_425 = arith.constant 16256 : i32
    %add3A_426 = arith.addi %mul3A_2, %add3A_425 : i32
    %dma_wait3A_427 = arith.constant 3 : i32
    %dma_wait3A_428 = arith.constant 0 : i32
    %dma_wait3A_429 = arith.constant 0 : i32
    %dma_wait3A_430 = tpu.memref_slice %arg6[%dma_wait3A_427, %dma_wait3A_428, %dma_wait3A_429] : memref<4x128x128xf32, #tpu.memory_space<vmem>> -> memref<1x128x128xf32, #tpu.memory_space<vmem>>
    %dma_wait3A_431 = tpu.memref_squeeze %dma_wait3A_430 : memref<1x128x128xf32, #tpu.memory_space<vmem>> -> memref<128x128xf32, #tpu.memory_space<vmem>>
    %dma_wait3A_432 = arith.constant 0 : i32
    %dma_wait3A_433 = tpu.memref_slice %arg4[%add3A_426, %dma_wait3A_432] : memref<524288x128xf32, #tpu.memory_space<hbm>> -> memref<128x128xf32, #tpu.memory_space<hbm>>
    %dma_wait3A_434 = arith.constant 0 : i32
    %dma_wait3A_435 = tpu.memref_slice %arg4[%add3A_426, %dma_wait3A_434] : memref<524288x128xf32, #tpu.memory_space<hbm>> -> memref<128x128xf32, #tpu.memory_space<hbm>>
    %dma_wait3A_436 = arith.constant 0 : i32
    %dma_wait3A_437 = arith.constant 0 : i32
    %dma_wait3A_438 = tpu.memref_slice %arg6[%dma_wait3A_427, %dma_wait3A_436, %dma_wait3A_437] : memref<4x128x128xf32, #tpu.memory_space<vmem>> -> memref<1x128x128xf32, #tpu.memory_space<vmem>>
    %dma_wait3A_439 = tpu.memref_squeeze %dma_wait3A_438 : memref<1x128x128xf32, #tpu.memory_space<vmem>> -> memref<128x128xf32, #tpu.memory_space<vmem>>
    tpu.wait_dma2 semaphore(%arg15 : memref<!tpu.dma_semaphore, #tpu.memory_space<semaphore_mem>>) src(%dma_wait3A_439 : memref<128x128xf32, #tpu.memory_space<vmem>>) dst(%dma_wait3A_435 : memref<128x128xf32, #tpu.memory_space<hbm>>)
    return
  }
}

</mosaic_0001>

<sc_bundles>
// kernel: kernel.3.cloned.1.call-start
scs
__scs_entry_jumppad:
0x0: {  	(pc) =	sbr.rel $0x88, $3  }
0x1: {  	(tag) =	ssettag $0x0;
	lr =	simm.s32 $0x1  }
0x2: {  	[smem:$0x3F9F] =	sst lr;
	_ =	strace $0xD0000000  }
0x3: {  	_ = 	snop  }
0x4: {  	_ = 	snop  }
0x5: {  	_ = 	snop  }
0x6: {  	_ = 	snop  }
0x7: {  	_ = 	snop  }
__scs_overlays_trampoline_lowered:
0x8: {  	[smem:$0x3FAE] =	sst s0  }
0x9: {  	[smem:$0x3FAF] =	sst s1  }
0xa: {  	[smem:$0x3FB0] =	sst s2  }
0xb: {  	[smem:$0x3FB1] =	sst s3  }
0xc: {  	[smem:$0x3FB2] =	sst s4  }
0xd: {  	[smem:$0x3FB3] =	sst s5  }
0xe: {  	[smem:$0x3FB4] =	sst s6  }
0xf: {  	[smem:$0x3FB5] =	sst s7  }
0x10: {  	[smem:$0x3FB6] =	sst s8  }
0x11: {  	[smem:$0x3FB7] =	sst s9;
	s0 =	simm.s32 @!p0 $0x0  }
0x12: {  	s1 =	sld [smem:$0x3F9D];
	s0 =	simm.s32 @p0 $0x1  }
0x13: {  	[smem:$0x3FB8] =	sst s0;
	s0 =	simm.s32 @!p1 $0x0  }
0x14: {  	s2 =	sld [smem:$0x3F9C];
	s0 =	simm.s32 @p1 $0x1  }
0x15: {  	[smem:$0x3FB9] =	sst s0;
	s0 =	simm.s32 @!p2 $0x0  }
0x16: {  	s3 =	sld [smem:$0x3FDB];
	s0 =	simm.s32 @p2 $0x1  }
0x17: {  	s4 =	simm.s32 $0x1BF5;
	[smem:$0x3FBB] =	sst s0  }
0x18: {  	s0 =	sld [smem:$0x3F9E];
	_ =	swait.ge [sflag:s4], $0x0  }
0x19: {  	s7 =	sld [smem:$0x3F9F]  }
0x1a: {  	s8 =	sadd.s32 $0xFFFFE003, lr  }
0x1b: {  	s9 =	sadd.s32 $0xFFFFFEF7, lr;
	s5 =	simm.s32 $0xFFFFFFFF;
	p2 =	slt.u32 s8, $0xFFFFF086  }
0x1c: {  	p1 =	slt.u32 s9, $0xF7A;
	s5 =	simm.s32 @!p2 $0x0  }
0x1d: {  	s5 =	simm.s32 @p1 $0x1;
	p0 =	seq.s32 s7, s2  }
0x1e: {  	s7 =	smul.u32 @!p0 $0xF7A, s2;
	p2 =	seq.s32 @!p0 s5, $0x0  }
0x1f: {  	s9 =	smul.u32 $0xF7A, s1;
	s8 =	simm.s32 @!p0 $0x1BF5;
	p2 =	por !p2, p0  }
0x20: {  	[sflag:s8] =	ssyncset.s32 @!p0 $0xFFFFF086;
	s6 =	sadd.s32 @!p0 s3, s7;
	s7 =	simm.s32 @!p0 $0x108  }
0x21: {  	s3 =	sadd.s32 s3, s9;
	s6 =	sadd.s32 @!p0 $0x88, s6;
	s7 =	simm.s32 @p2 $0x1082  }
0x22: {  	[simem:s7], [sflag:s8] =	dma.local @!p0 [hbm:s6], $0xF7A  }
0x23: {  	s9 =	sor.u32 $0xD0000000, s2;
	s6 =	simm.s32 $0x108;
	_ =	swait.ge @!p0 [sflag:s8], $0x0  }
0x24: {  	s3 =	sadd.s32 $0x88, s3;
	s6 =	simm.s32 @!p1 $0x1082;
	[sflag:s4] =	ssyncset.s32 $0xFFFFF086  }
0x25: {  	[simem:s6], [sflag:s4] =	dma.local [hbm:s3], $0xF7A  }
0x26: {  	[smem:$0x3F9F] =	sst s1;
	(tag) =	ssettag s2;
	_ =	strace s9  }
0x27: {  	s1 =	sld [smem:$0x3FAF]  }
0x28: {  	s2 =	sld [smem:$0x3FB0]  }
0x29: {  	s4 =	sld [smem:$0x3FB2]  }
0x2a: {  	p0 =	seq.s32 s5, $0x0;
	s5 =	sld [smem:$0x3FB3]  }
0x2b: {  	s6 =	sld [smem:$0x3FB4]  }
0x2c: {  	s7 =	sld [smem:$0x3FB5]  }
0x2d: {  	s3 =	simm.s32 $0x108;
	s8 =	sld [smem:$0x3FB6]  }
0x2e: {  	s3 =	simm.s32 @!p0 $0x1082;
	s9 =	sld [smem:$0x3FB7]  }
0x2f: {  	lr =	sadd.s32 s0, s3;
	s0 =	sld [smem:$0x3FAE]  }
0x30: {  	s3 =	sld [smem:$0x3FB1]  }
0x31: {  	[smem:$0x3FBA] =	sst s10  }
0x32: {  	s10 =	sld [smem:$0x3FB8];
	_ =	sdelay $0x3  }
0x33: {  	p0 =	seq.s32 s10, $0x1;
	s10 =	sld [smem:$0x3FBA];
	_ =	sdelay $0x3  }
0x34: {  	[smem:$0x3FBA] =	sst s10  }
0x35: {  	s10 =	sld [smem:$0x3FB9];
	_ =	sdelay $0x3  }
0x36: {  	p1 =	seq.s32 s10, $0x1;
	s10 =	sld [smem:$0x3FBA];
	_ =	sdelay $0x3  }
0x37: {  	[smem:$0x3FBA] =	sst s10  }
0x38: {  	s10 =	sld [smem:$0x3FBB]  }
0x39: {  	_ = 	snop;
	(pc) =	sbr.ind lr, $3  }
0x3a: {  	_ = 	snop  }
0x3b: {  	_ = 	snop  }
0x3c: {  	p2 =	seq.s32 s10, $0x1;
	s10 =	sld [smem:$0x3FBA]  }
0x3d: {  	_ =	shalt  }
0x3e: {  	_ =	shalt  }
0x3f: {  	_ =	shalt  }
0x40: {  	_ =	shalt  }
0x41: {  	_ =	shalt  }
0x42: {  	_ =	shalt  }
0x43: {  	_ =	shalt  }
0x44: {  	_ =	shalt  }
0x45: {  	_ =	shalt  }
0x46: {  	_ =	shalt  }
0x47: {  	_ =	shalt  }
0x48: {  	_ =	shalt  }
0x49: {  	_ =	shalt  }
0x4a: {  	_ =	shalt  }
0x4b: {  	_ =	shalt  }
0x4c: {  	_ =	shalt  }
0x4d: {  	_ =	shalt  }
0x4e: {  	_ =	shalt  }
0x4f: {  	_ =	shalt  }
0x50: {  	_ =	shalt  }
0x51: {  	_ =	shalt  }
0x52: {  	_ =	shalt  }
0x53: {  	_ =	shalt  }
0x54: {  	_ =	shalt  }
0x55: {  	_ =	shalt  }
0x56: {  	_ =	shalt  }
0x57: {  	_ =	shalt  }
0x58: {  	_ =	shalt  }
0x59: {  	_ =	shalt  }
0x5a: {  	_ =	shalt  }
0x5b: {  	_ =	shalt  }
0x5c: {  	_ =	shalt  }
0x5d: {  	_ =	shalt  }
0x5e: {  	_ =	shalt  }
0x5f: {  	_ =	shalt  }
0x60: {  	_ =	shalt  }
0x61: {  	_ =	shalt  }
0x62: {  	_ =	shalt  }
0x63: {  	_ =	shalt  }
0x64: {  	_ =	shalt  }
0x65: {  	_ =	shalt  }
0x66: {  	_ =	shalt  }
0x67: {  	_ =	shalt  }
0x68: {  	_ =	shalt  }
0x69: {  	_ =	shalt  }
0x6a: {  	_ =	shalt  }
0x6b: {  	_ =	shalt  }
0x6c: {  	_ =	shalt  }
0x6d: {  	_ =	shalt  }
0x6e: {  	_ =	shalt  }
0x6f: {  	_ =	shalt  }
0x70: {  	_ =	shalt  }
0x71: {  	_ =	shalt  }
0x72: {  	_ =	shalt  }
0x73: {  	_ =	shalt  }
0x74: {  	_ =	shalt  }
0x75: {  	_ =	shalt  }
0x76: {  	_ =	shalt  }
0x77: {  	_ =	shalt  }
0x78: {  	_ =	shalt  }
0x79: {  	_ =	shalt  }
0x7a: {  	_ =	shalt  }
0x7b: {  	_ =	shalt  }
0x7c: {  	_ =	shalt  }
0x7d: {  	_ =	shalt  }
0x7e: {  	_ =	shalt  }
0x7f: {  	_ =	shalt  }
0x80: {  	_ =	shalt  }
0x81: {  	_ =	shalt  }
0x82: {  	_ =	shalt  }
0x83: {  	_ =	shalt  }
0x84: {  	_ =	shalt  }
0x85: {  	_ =	shalt  }
0x86: {  	_ =	shalt  }
0x87: {  	_ =	shalt  }
.Lfunc_end0:
.L_simem_size_0:
called_computation_lowered:
.L_overlay_start_0:
0x88: {  	s2 =	sld [smem:$0x3FD9]  }
0x89: {  	s3 =	sld [smem:$0x3FFE];
	_ =	sdelay $0x1  }
0x8a: {  	s1 =	srdreg.scid  }
0x8b: {  	s0 =	sand.u32 $0x1, s1  }
0x8c: {  	s17 =	sshll.u32 s0, $0xA;
	s2 =	sadd.s32 s3, s2  }
0x8d: {  	s2 =	sadd.s32 s2, s17  }
0x8e: {  	[smem:$0x3FC6] =	sst s2  }
0x8f: {  	_ = 	snop  }
0x90: {  	s2 =	sld [smem:$0x3FD0];
	(tm) =	ssettm $0x1  }
0x91: {  	s18 =	sld [smem:$0x3FFB];
	_ =	sdelay $0x3  }
0x92: {  	_ =	strace s18  }
0x93: {  	s3 =	sld [smem:$0x3FFC];
	_ =	sdelay $0x3  }
0x94: {  	_ =	strace s3  }
0x95: {  	s3 =	sld [smem:$0x3FFD];
	_ =	sdelay $0x3  }
0x96: {  	_ =	strace s3  }
0x97: {  	_ =	strace $0x8FFFFFFF  }
0x98: {  	s19 =	sld [smem:$0x3FDB];
	_ =	sdelay $0x1  }
0x99: {  	s4 =	simm.s32 $_scs_section_size  }
0x9a: {  	s5 =	simm.s32 $_size__tile_overlayer_lowered;
	s6 =	simm.s32 $_tile_overlayer_lowered  }
0x9b: {  	s22 =	simm.s32 $0x1BFF;
	s21 =	sshll.u32 s6, $0x1;
	s3 =	sadd.s32 s4, s19  }
0x9c: {  	s7 =	simm.s32 $0x0;
	s20 =	sshll.u32 s5, $0x1;
	s5 =	sadd.s32 s21, s3  }
0x9d: {  	[timem:s7], [sflag:s22] =	dma.local [hbm:s5], s20  }
0x9e: {  	_ =	swait.ge [sflag:s22], s20  }
0x9f: {  	s4 =	ssub.s32 $0x0, s20;
	[sflag:s22] =	ssyncset.done $0x0  }
0xa0: {  	[sflag:s22] =	ssyncadd.s32 s4;
	_ =	sdelay $0x1  }
0xa1: {  	s23 =	simm.s32 $0x1B8B  }
0xa2: {  	_ =	swait.ge [sflag:s23], $0x1  }
0xa3: {  	[sflag:s23] =	ssyncset.done $0x0  }
0xa4: {  	s25 =	simm.s32 $0x1B8E;
	s24 =	sld [smem:$0x3FFE];
	[sflag:s23] =	ssyncadd.s32 $0xFFFFFFFF  }
0xa5: {  	s26 =	simm.s32 $execute0_lowered;
	[smem:$0x3FD2] =	sst s25  }
0xa6: {  	s5 =	sshll.u32 s26, $0x1;
	_ =	strace $0x80000046;
	[dreg:$0x1] =	wrdreg $0xFFFFFFFF  }
0xa7: {  	s28 =	simm.s32 $_size_execute0_lowered;
	s3 =	sadd.s32 s3, s5;
	[dreg:$0x0] =	wrdreg $0x0  }
0xa8: {  	s5 =	sshll.u32 s28, $0x1;
	[dreg:$0x2] =	wrdreg s3  }
0xa9: {  	[dreg:$0x3] =	wrdreg s5  }
0xaa: {  	[dreg:$0x4] =	wrdreg $0xC0  }
0xab: {  	_ =	task [dreg:s7], $0x5FFFF  }
0xac: {  	[dreg:$0x1] =	wrdreg $0xFFFFFFFF  }
0xad: {  	[dreg:$0x0] =	wrdreg $0x60  }
0xae: {  	[dreg:$0x2] =	wrdreg s24  }
0xaf: {  	[dreg:$0x3] =	wrdreg s2  }
0xb0: {  	[dreg:$0x4] =	wrdreg $0x140000  }
0xb1: {  	[dreg:$0x5] =	wrdreg $0x9  }
0xb2: {  	_ =	task.clear_ibuf [dreg:s7], $0x6FFFF;
	_ =	strace $0x90000046  }
0xb3: {  	s29 =	simm.s32 $0x9;
	_ =	strace $0x80000048  }
0xb4: {  	_ =	swait.ge [sflag:s29], $0x1  }
0xb5: {  	[sflag:s29] =	ssyncadd.s32 $0xFFFFFFFF  }
0xb6: {  	_ =	strace $0x90000048  }
0xb7: {  	_ =	sfence  }
0xb8: {  	s30 =	sld [smem:$0x0];
	_ =	sdelay $0x2  }
0xb9: {  	s31 =	sshll.u32 s1, $0xD;
	s1 =	sshrl.u32 s1, $0x2  }
0xba: {  	s3 =	sand.u32 $0x4000, s31;
	s1 =	sadd.s32 s1, s30  }
0xbb: {  	s0 =	sor.u32 s3, s0;
	s1 =	sshll.u32 s1, $0x11  }
0xbc: {  	s0 =	sor.u32 s1, s0  }
0xbd: {  	s0 =	sadd.s32 $0x8F2B, s0  }
0xbe: {  	[sflag:s0] =	ssyncadd.remote.s32 $0x1  }
0xbf: {  	_ =	sfence.sel $0xFFFF  }
0xc0: {  	[dreg:$0x0] =	wrdreg $0xFFFFFFFF;
	(pc) =	sbr.abs _section_cstart, $3  }
0xc1: {  	[dreg:$0x1] =	wrdreg $0xFFFFFFFF  }
0xc2: {  	_ =	task.clear_ibuf [dreg:s7], $0x2FFFF;
	_ =	strace $0x9FFFFFFF  }
0xc3: {  	(tm) =	ssettm $0x7FFFFFFF  }
tec
execute0_lowered:
.L_overlay_start_1:
0x0: {  	(tag) =	ssettag $0x1  }
0x1: {  	s0 =	rddreg [dreg:$0x0]  }
0x2: {  	s1 =	srdreg.scid;
	s3 =	rddreg [dreg:$0x1]  }
0x3: {  	s4 =	stileid.u32;
	s2 =	simm.s32 $0x0;
	s16 =	simm.s32 $0x9  }
0x4: {  	s17 =	simm.s32 $0x80;
	s18 =	simm.s32 $0x4000;
	s19 =	simm.s32 $0x8000  }
0x5: {  	s21 =	simm.s32 $0xC000;
	s22 =	simm.s32 $0x1;
	s24 =	simm.s32 $0x10000  }
0x6: {  	s29 =	simm.s32 $0x3;
	s30 =	simm.s32 $0x6;
	s20 =	simm.s32 $0x7  }
0x7: {  	s23 =	simm.s32 $0x8;
	s12 =	sand.u32 $0x1, s1;
	s1 =	rddreg [dreg:$0x2]  }
0x8: {  	s28 =	simm.s32 $0x0;
	s5 =	sshll.u32 s4, $0xF;
	[smem:$0x7FF] =	sst s2  }
0x9: {  	s13 =	sshll.u32 s4, $0x13;
	p0 =	sne.s32 s4, $0x0;
	s6 =	sshll.u32 s12, $0xE  }
0xa: {  	_ =	strace $0x80000047;
	s7 =	ssub.s32 $0x2, s12;
	s5 =	sor.u32 s6, s5  }
0xb: {  	s31 =	sshll.u32 s12, $0x12;
	s15 =	sshrl.u32 @!p0 s1, $0x3;
	s6 =	sshrl.u32 s5, $0x3  }
0xc: {  	s25 =	sshrl.u32 s7, $0x1;
	s5 =	sshll.u32 s5, $0x4;
	s6 =	sadd.s32 s6, s0  }
0xd: {  	s0 =	sadd.s32 $0x10600, s0;
	s5 =	sadd.s32 s3, s5;
	s3 =	sadd.s32 s13, s3  }
0xe: {  	[dreg:$0x4] =	wrdreg s0;
	s0 =	ssub.s32 s7, s25;
	s6 =	sadd.s32 $0x600, s6  }
0xf: {  	s26 =	sadd.s32 $0x800, s5;
	s7 =	sadd.s32 $0x1000, s5;
	s8 =	sadd.s32 $0x1800, s5  }
0x10: {  	s9 =	sadd.s32 $0x3E000, s5;
	s10 =	sadd.s32 $0x3E800, s5;
	s11 =	sadd.s32 $0x3F000, s5  }
0x11: {  	s12 =	sadd.s32 $0x3F800, s5;
	s3 =	sadd.s32 s31, s3;
	[dreg:$0x5] =	wrdreg s6  }
0x12: {  	s25 =	simm.s32 $0x2;
	[dreg:$0x6] =	wrdreg s26;
	s13 =	smax.u32 s0, $0x1  }
0x13: {  	s14 =	sadd.s32 $0x2000, s3;
	s26 =	simm.s32 $0x5;
	s0 =	simm.s32 $0x4  }
.LBB2_1:
0x14: {  	s3 =	simm.s32 @!p0 $0x1C09;
	s4 =	rddreg [dreg:$0x4]  }
0x15: {  	[spmem:s15], [sflag:s3] =	dma.local @!p0 [hbm:s4], $0x800  }
0x16: {  	s3 =	simm.s32 @!p0 $0x9  }
0x17: {  	_ =	swait.ge @!p0 [sflag:s3], $0x800  }
0x18: {  	[sflag:s3] =	ssyncset.done @!p0 $0x0  }
0x19: {  	s4 =	rddreg [dreg:$0x5];
	[sflag:s3] =	ssyncadd.s32 @!p0 $0xFFFFF800  }
0x1a: {  	[tilespmem:s2], [sflag:$0x9] =	stream.linear.gather [hbm4b:s4+s2], $0x4000, $0x38;
	[tilespmem:$0x14400] =	vst v63  }
0x1b: {  	_ =	swait.ge [sflag:s16], $0x4000  }
0x1c: {  	[sflag:s16] =	ssyncset.done $0x0  }
0x1d: {  	[sflag:s16] =	ssyncadd.s32 $0xFFFFC000  }
0x1e: {  	[bflag:$0x0] =	sbarrier.arrive $0xFFFF  }
0x1f: {  	[tilespmem:s18], [sflag:$0x1] =	stream.indirect.gather [spmem:s1], $0x80, s2, s17, $0xb8;
	[tilespmem:$0x14400] =	vst v63  }
0x20: {  	_ = 	snop  }
0x21: {  	[tilespmem:s19], [sflag:$0x2] =	stream.indirect.gather [spmem:s1], $0x80, s17, s17, $0xb8;
	[tilespmem:$0x14400] =	vst v63  }
0x22: {  	s6 =	simm.s32 $0x100  }
0x23: {  	[tilespmem:s21], [sflag:$0x3] =	stream.indirect.gather [spmem:s1], $0x80, s6, s17, $0xb8;
	[tilespmem:$0x14400] =	vst v63  }
0x24: {  	_ =	swait.ge [sflag:s22], $0x4000  }
0x25: {  	[sflag:s22] =	ssyncset.done $0x0  }
0x26: {  	[sflag:s22] =	ssyncadd.s32 $0xFFFFC000  }
0x27: {  	[hbm4b:s5+s2] =	stream.linear.scatter [tilespmem:s18], [sflag:$0x5], $0x4000, $0x38;
	[tilespmem:$0x14400] =	vst v63  }
0x28: {  	s4 =	simm.s32 $0x180  }
0x29: {  	[tilespmem:s24], [sflag:$0x4] =	stream.indirect.gather [spmem:s1], $0x80, s4, s17, $0xb8;
	[tilespmem:$0x14400] =	vst v63  }
0x2a: {  	_ =	swait.ge [sflag:s25], $0x4000  }
0x2b: {  	[sflag:s25] =	ssyncset.done $0x0  }
0x2c: {  	s6 =	rddreg [dreg:$0x6];
	[sflag:s25] =	ssyncadd.s32 $0xFFFFC000  }
0x2d: {  	[hbm4b:s6+s2] =	stream.linear.scatter [tilespmem:s19], [sflag:$0x6], $0x4000, $0x38;
	[tilespmem:$0x14400] =	vst v63  }
0x2e: {  	_ =	swait.ge [sflag:s26], $0x4000  }
0x2f: {  	[sflag:s26] =	ssyncset.done $0x0  }
0x30: {  	s4 =	simm.s32 $0x200;
	[sflag:s26] =	ssyncadd.s32 $0xFFFFC000  }
0x31: {  	[tilespmem:s18], [sflag:$0x1] =	stream.indirect.gather [spmem:s1], $0x80, s4, s17, $0xb8;
	[tilespmem:$0x14400] =	vst v63  }
0x32: {  	_ =	swait.ge [sflag:s29], $0x4000  }
0x33: {  	[sflag:s29] =	ssyncset.done $0x0  }
0x34: {  	[sflag:s29] =	ssyncadd.s32 $0xFFFFC000  }
0x35: {  	[hbm4b:s7+s2] =	stream.linear.scatter [tilespmem:s21], [sflag:$0x7], $0x4000, $0x38;
	[tilespmem:$0x14400] =	vst v63  }
0x36: {  	_ =	swait.ge [sflag:s30], $0x4000  }
0x37: {  	[sflag:s30] =	ssyncset.done $0x0  }
0x38: {  	s6 =	simm.s32 $0x280;
	[sflag:s30] =	ssyncadd.s32 $0xFFFFC000  }
0x39: {  	[tilespmem:s19], [sflag:$0x2] =	stream.indirect.gather [spmem:s1], $0x80, s6, s17, $0xb8;
	[tilespmem:$0x14400] =	vst v63  }
0x3a: {  	_ =	swait.ge [sflag:s0], $0x4000  }
0x3b: {  	[sflag:s0] =	ssyncset.done $0x0  }
0x3c: {  	[sflag:s0] =	ssyncadd.s32 $0xFFFFC000  }
0x3d: {  	[hbm4b:s8+s2] =	stream.linear.scatter [tilespmem:s24], [sflag:$0x8], $0x4000, $0x38;
	[tilespmem:$0x14400] =	vst v63  }
0x3e: {  	_ =	swait.ge [sflag:s20], $0x4000  }
0x3f: {  	[sflag:s20] =	ssyncset.done $0x0  }
0x40: {  	s4 =	simm.s32 $0x300;
	[sflag:s20] =	ssyncadd.s32 $0xFFFFC000  }
0x41: {  	[tilespmem:s21], [sflag:$0x3] =	stream.indirect.gather [spmem:s1], $0x80, s4, s17, $0xb8;
	[tilespmem:$0x14400] =	vst v63  }
0x42: {  	_ =	swait.ge [sflag:s22], $0x4000  }
0x43: {  	[sflag:s22] =	ssyncset.done $0x0  }
0x44: {  	[sflag:s22] =	ssyncadd.s32 $0xFFFFC000  }
0x45: {  	[hbm4b:s14+s2] =	stream.linear.scatter [tilespmem:s18], [sflag:$0x5], $0x4000, $0x38;
	[tilespmem:$0x14400] =	vst v63  }
0x46: {  	_ =	swait.ge [sflag:s23], $0x4000  }
0x47: {  	[sflag:s23] =	ssyncset.done $0x0  }
0x48: {  	s6 =	simm.s32 $0x380;
	[sflag:s23] =	ssyncadd.s32 $0xFFFFC000  }
0x49: {  	[tilespmem:s24], [sflag:$0x4] =	stream.indirect.gather [spmem:s1], $0x80, s6, s17, $0xb8;
	[tilespmem:$0x14400] =	vst v63  }
0x4a: {  	_ =	swait.ge [sflag:s25], $0x4000  }
0x4b: {  	[sflag:s25] =	ssyncset.done $0x0  }
0x4c: {  	s4 =	sadd.s32 $0x800, s14;
	[sflag:s25] =	ssyncadd.s32 $0xFFFFC000  }
0x4d: {  	[hbm4b:s4+s2] =	stream.linear.scatter [tilespmem:s19], [sflag:$0x6], $0x4000, $0x38;
	[tilespmem:$0x14400] =	vst v63  }
0x4e: {  	_ =	swait.ge [sflag:s26], $0x4000  }
0x4f: {  	[sflag:s26] =	ssyncset.done $0x0  }
0x50: {  	s6 =	simm.s32 $0x400;
	[sflag:s26] =	ssyncadd.s32 $0xFFFFC000  }
0x51: {  	[tilespmem:s18], [sflag:$0x1] =	stream.indirect.gather [spmem:s1], $0x80, s6, s17, $0xb8;
	[tilespmem:$0x14400] =	vst v63  }
0x52: {  	_ =	swait.ge [sflag:s29], $0x4000  }
0x53: {  	[sflag:s29] =	ssyncset.done $0x0  }
0x54: {  	s4 =	sadd.s32 $0x1000, s14;
	[sflag:s29] =	ssyncadd.s32 $0xFFFFC000  }
0x55: {  	[hbm4b:s4+s2] =	stream.linear.scatter [tilespmem:s21], [sflag:$0x7], $0x4000, $0x38;
	[tilespmem:$0x14400] =	vst v63  }
0x56: {  	_ =	swait.ge [sflag:s30], $0x4000  }
0x57: {  	[sflag:s30] =	ssyncset.done $0x0  }
0x58: {  	s6 =	simm.s32 $0x480;
	[sflag:s30] =	ssyncadd.s32 $0xFFFFC000  }
0x59: {  	[tilespmem:s19], [sflag:$0x2] =	stream.indirect.gather [spmem:s1], $0x80, s6, s17, $0xb8;
	[tilespmem:$0x14400] =	vst v63  }
0x5a: {  	_ =	swait.ge [sflag:s0], $0x4000  }
0x5b: {  	s31 =	simm.s32 $0x800;
	[sflag:s0] =	ssyncset.done $0x0  }
0x5c: {  	s3 =	sadd.s32 $0x2000, s14;
	s4 =	sadd.s32 $0x1800, s14;
	[sflag:s0] =	ssyncadd.s32 $0xFFFFC000  }
.LBB2_2:
0x5d: {  	[hbm4b:s4+s2] =	stream.linear.scatter [tilespmem:s24], [sflag:$0x8], $0x4000, $0x38;
	[tilespmem:$0x14400] =	vst v63  }
0x5e: {  	s4 =	smov.u32 s31  }
0x5f: {  	p1 =	sne.s32 s31, $0xE800;
	s31 =	sadd.s32 $0x800, s31;
	_ =	swait.ge [sflag:s20], $0x4000  }
0x60: {  	s4 =	sshra.s32 s4, $0x2;
	[sflag:s20] =	ssyncset.done $0x0  }
0x61: {  	s6 =	sadd.s32 $0x300, s4;
	[sflag:s20] =	ssyncadd.s32 $0xFFFFC000  }
0x62: {  	[tilespmem:s21], [sflag:$0x3] =	stream.indirect.gather [spmem:s1], $0x80, s6, s17, $0xb8;
	[tilespmem:$0x14400] =	vst v63  }
0x63: {  	_ =	swait.ge [sflag:s22], $0x4000  }
0x64: {  	[sflag:s22] =	ssyncset.done $0x0  }
0x65: {  	[sflag:s22] =	ssyncadd.s32 $0xFFFFC000  }
0x66: {  	[hbm4b:s3+s2] =	stream.linear.scatter [tilespmem:s18], [sflag:$0x5], $0x4000, $0x38;
	[tilespmem:$0x14400] =	vst v63  }
0x67: {  	_ =	swait.ge [sflag:s23], $0x4000  }
0x68: {  	[sflag:s23] =	ssyncset.done $0x0  }
0x69: {  	s6 =	sadd.s32 $0x380, s4;
	[sflag:s23] =	ssyncadd.s32 $0xFFFFC000  }
0x6a: {  	[tilespmem:s24], [sflag:$0x4] =	stream.indirect.gather [spmem:s1], $0x80, s6, s17, $0xb8;
	[tilespmem:$0x14400] =	vst v63  }
0x6b: {  	_ =	swait.ge [sflag:s25], $0x4000  }
0x6c: {  	[sflag:s25] =	ssyncset.done $0x0  }
0x6d: {  	s6 =	sadd.s32 $0x800, s3;
	[sflag:s25] =	ssyncadd.s32 $0xFFFFC000  }
0x6e: {  	[hbm4b:s6+s2] =	stream.linear.scatter [tilespmem:s19], [sflag:$0x6], $0x4000, $0x38;
	[tilespmem:$0x14400] =	vst v63  }
0x6f: {  	_ =	swait.ge [sflag:s26], $0x4000  }
0x70: {  	[sflag:s26] =	ssyncset.done $0x0  }
0x71: {  	s6 =	sadd.s32 $0x400, s4;
	[sflag:s26] =	ssyncadd.s32 $0xFFFFC000  }
0x72: {  	[tilespmem:s18], [sflag:$0x1] =	stream.indirect.gather [spmem:s1], $0x80, s6, s17, $0xb8;
	[tilespmem:$0x14400] =	vst v63  }
0x73: {  	_ =	swait.ge [sflag:s29], $0x4000  }
0x74: {  	[sflag:s29] =	ssyncset.done $0x0  }
0x75: {  	s6 =	sadd.s32 $0x1000, s3;
	[sflag:s29] =	ssyncadd.s32 $0xFFFFC000  }
0x76: {  	[hbm4b:s6+s2] =	stream.linear.scatter [tilespmem:s21], [sflag:$0x7], $0x4000, $0x38;
	[tilespmem:$0x14400] =	vst v63  }
0x77: {  	_ =	swait.ge [sflag:s30], $0x4000  }
0x78: {  	[sflag:s30] =	ssyncset.done $0x0  }
.Ltmp0:
0x79: {  	s4 =	sadd.s32 $0x480, s4;
	[sflag:s30] =	ssyncadd.s32 $0xFFFFC000;
	(pc) =	sbr.rel @p1 .LBB2_2-.Ltmp0, $4  }
0x7a: {  	[tilespmem:s19], [sflag:$0x2] =	stream.indirect.gather [spmem:s1], $0x80, s4, s17, $0xb8;
	[tilespmem:$0x14400] =	vst v63  }
0x7b: {  	_ =	swait.ge [sflag:s0], $0x4000  }
0x7c: {  	[sflag:s0] =	ssyncset.done $0x0  }
0x7d: {  	s4 =	sadd.s32 $0x1800, s3;
	s3 =	sadd.s32 $0x2000, s3;
	[sflag:s0] =	ssyncadd.s32 $0xFFFFC000  }
0x7e: {  	[hbm4b:s4+s2] =	stream.linear.scatter [tilespmem:s24], [sflag:$0x8], $0x4000, $0x38;
	[tilespmem:$0x14400] =	vst v63  }
0x7f: {  	_ =	swait.ge [sflag:s20], $0x4000  }
0x80: {  	[sflag:s20] =	ssyncset.done $0x0  }
0x81: {  	s3 =	simm.s32 $0x3F00;
	[sflag:s20] =	ssyncadd.s32 $0xFFFFC000  }
0x82: {  	[tilespmem:s21], [sflag:$0x3] =	stream.indirect.gather [spmem:s1], $0x80, s3, s17, $0xb8;
	[tilespmem:$0x14400] =	vst v63  }
0x83: {  	_ =	swait.ge [sflag:s22], $0x4000  }
0x84: {  	[sflag:s22] =	ssyncset.done $0x0  }
0x85: {  	[sflag:s22] =	ssyncadd.s32 $0xFFFFC000  }
0x86: {  	[hbm4b:s9+s2] =	stream.linear.scatter [tilespmem:s18], [sflag:$0x5], $0x4000, $0x38;
	[tilespmem:$0x14400] =	vst v63  }
0x87: {  	_ =	swait.ge [sflag:s23], $0x4000  }
0x88: {  	[sflag:s23] =	ssyncset.done $0x0  }
0x89: {  	s31 =	simm.s32 $0x3F80;
	[sflag:s23] =	ssyncadd.s32 $0xFFFFC000  }
0x8a: {  	[tilespmem:s24], [sflag:$0x4] =	stream.indirect.gather [spmem:s1], $0x80, s31, s17, $0xb8;
	[tilespmem:$0x14400] =	vst v63  }
0x8b: {  	_ =	swait.ge [sflag:s25], $0x4000  }
0x8c: {  	[sflag:s25] =	ssyncset.done $0x0  }
0x8d: {  	[sflag:s25] =	ssyncadd.s32 $0xFFFFC000  }
0x8e: {  	[hbm4b:s10+s2] =	stream.linear.scatter [tilespmem:s19], [sflag:$0x6], $0x4000, $0x38;
	[tilespmem:$0x14400] =	vst v63  }
0x8f: {  	_ =	swait.ge [sflag:s26], $0x4000  }
0x90: {  	[sflag:s26] =	ssyncset.done $0x0  }
0x91: {  	[sflag:s26] =	ssyncadd.s32 $0xFFFFC000  }
0x92: {  	_ =	swait.ge [sflag:s29], $0x4000  }
0x93: {  	[sflag:s29] =	ssyncset.done $0x0  }
0x94: {  	[sflag:s29] =	ssyncadd.s32 $0xFFFFC000  }
0x95: {  	[hbm4b:s11+s2] =	stream.linear.scatter [tilespmem:s21], [sflag:$0x7], $0x4000, $0x38;
	[tilespmem:$0x14400] =	vst v63  }
0x96: {  	_ =	swait.ge [sflag:s30], $0x4000  }
0x97: {  	[sflag:s30] =	ssyncset.done $0x0  }
0x98: {  	[sflag:s30] =	ssyncadd.s32 $0xFFFFC000  }
0x99: {  	_ =	swait.ge [sflag:s0], $0x4000  }
0x9a: {  	[sflag:s0] =	ssyncset.done $0x0  }
0x9b: {  	s28 =	sadd.s32 $0x1, s28;
	[sflag:s0] =	ssyncadd.s32 $0xFFFFC000  }
0x9c: {  	[hbm4b:s12+s2] =	stream.linear.scatter [tilespmem:s24], [sflag:$0x8], $0x4000, $0x38;
	[tilespmem:$0x14400] =	vst v63  }
0x9d: {  	p1 =	sne.s32 s28, s13;
	_ =	swait.ge [sflag:s20], $0x4000  }
.Ltmp1:
0x9e: {  	[sflag:s20] =	ssyncset.done $0x0;
	(pc) =	sbr.rel @p1 .LBB2_1-.Ltmp1, $4  }
0x9f: {  	[sflag:s20] =	ssyncadd.s32 $0xFFFFC000  }
0xa0: {  	_ =	swait.ge [sflag:s23], $0x4000  }
0xa1: {  	[sflag:s23] =	ssyncset.done $0x0  }
0xa2: {  	[sflag:s23] =	ssyncadd.s32 $0xFFFFC000  }
0xa3: {  	_ =	sfence.sel $0x180000  }
0xa4: {  	[bflag:$0x0] =	sbarrier.arrive $0xFFFF  }
0xa5: {  	_ =	strace $0x90000047  }
0xa6: {  	[bflag:$0x2] =	sbarrier.arrive $0xFFFF  }
0xa7: {  	s0 =	rddreg [dreg:$0x3]  }
0xa8: {  	s0 =	sadd.s32 @!p0 $0x100000, s0  }
0xa9: {  	[sflag:s0] =	ssyncadd.tile.s32 @!p0 $0x1;
	_ =	shalt  }
.Lfunc_end2:
_tile_overlayer_lowered:
.L_overlay_start_2:
0xaa: {  	(tag) =	ssettag $0x2  }
0xab: {  	s0 =	rddreg [dreg:$0x0];
	s2 =	stileid.u32  }
0xac: {  	s1 =	rddreg [dreg:$0x1];
	p0 =	sne.s32 s2, $0x0  }
0xad: {  	s3 =	rddreg [dreg:$0x2];
	[bflag:$0x3] =	sbarrier.arrive $0xFFFF;
	s2 =	simm.s32 @!p0 $0x1C09  }
0xae: {  	[timem:s3], [sflag:s2] =	dma.local @!p0 [hbm:s0], s1  }
0xaf: {  	s0 =	simm.s32 @!p0 $0x9  }
0xb0: {  	_ =	swait.ge @!p0 [sflag:s0], s1  }
0xb1: {  	s1 =	ssub.s32 @!p0 $0x0, s1;
	[sflag:s0] =	ssyncset.done @!p0 $0x0  }
0xb2: {  	[sflag:s0] =	ssyncadd.s32 @!p0 s1  }
0xb3: {  	[bflag:$0x3] =	sbarrier.arrive $0xFFFF  }
0xb4: {  	_ =	shalt  }

</sc_bundles>
